<compile_context>
chip_gen: v7x
topology: tpu7x:2x2x1
jax: 0.10.2.dev20260603
libtpu: 0.0.44.dev20260713+nightly
codegen_flags: <defaults>
</compile_context>

<pallas_src>
import functools

import jax
import jax.numpy as jnp
from jax import lax
from jax.experimental import pallas as pl
from jax.experimental.pallas import tpu as pltpu
from jax.experimental.pallas import tpu_sc as plsc

L_TOTAL = 2_000_000
CHUNK = 3200
NCHUNK = L_TOTAL // CHUNK
NWORKER = 32
STEPS = -(-NCHUNK // NWORKER)
LANES = 16
UNROLL = 4


def kernel(seq):
    seq = seq.astype(jnp.int32)

    mesh = plsc.VectorSubcoreMesh(core_axis_name="c", subcore_axis_name="s")

    @functools.partial(
        pl.kernel,
        mesh=mesh,
        out_type=jax.ShapeDtypeStruct((4, L_TOTAL), jnp.float32),
        scratch_types=[
            pltpu.VMEM((2, CHUNK), jnp.int32),
            pltpu.VMEM((2, 4, CHUNK), jnp.float32),
            pltpu.SemaphoreType.DMA,
            pltpu.SemaphoreType.DMA,
            pltpu.SemaphoreType.DMA,
            pltpu.SemaphoreType.DMA,
        ],
    )
    def run(seq_hbm, out_hbm, seq_v, rows_v, in0, in1, out0, out1):
        wid = lax.axis_index("s") * 2 + lax.axis_index("c")
        insem = (in0, in1)
        outsem = (out0, out1)

        def in_copy(t, slot):
            base = (wid + t * NWORKER) * CHUNK
            return pltpu.make_async_copy(
                seq_hbm.at[pl.ds(base, CHUNK)], seq_v.at[slot], insem[slot])

        def out_copy(t, slot):
            base = (wid + t * NWORKER) * CHUNK
            return pltpu.make_async_copy(
                rows_v.at[slot], out_hbm.at[:, pl.ds(base, CHUNK)],
                outsem[slot])

        def compute(slot):
            @plsc.parallel_loop(0, CHUNK, step=LANES, unroll=UNROLL)
            def _(off):
                s = seq_v[slot, pl.ds(off, LANES)]
                fill = jnp.where(s == 4, jnp.float32(0.25),
                                 jnp.float32(0.0))
                for c in range(4):
                    rows_v[slot, c, pl.ds(off, LANES)] = jnp.where(
                        s == c, jnp.float32(1.0), fill)

        def valid(t):
            return wid + t * NWORKER < NCHUNK

        in_copy(0, 0).start()
        in_copy(1, 1).start()

        def round_(r, carry):
            for p in range(2):
                t = r * 2 + p
                pl.when(valid(t))(lambda: in_copy(t, p).wait())
                pl.when(r >= 1)(lambda: out_copy(t - 2, p).wait())
                compute(p)
                pl.when(valid(t))(lambda: out_copy(t, p).start())
                pl.when(jnp.logical_and(r < STEPS // 2 - 1, valid(t + 2)))(
                    lambda: in_copy(t + 2, p).start())
            return carry

        lax.fori_loop(0, STEPS // 2, round_, 0)

        out_copy(STEPS - 2, 0).wait()
        pl.when(valid(STEPS - 1))(lambda: out_copy(STEPS - 1, 1).wait())

    return run(seq)

# --- scband reference (transcript-rebuilt; emitter-appended) ---
"""Pipeline reference for scband-seq2-tensor-6064493822453 (READ-ONLY COPY).

The authoritative reference and input builder live on the scoring server;
editing this copy changes nothing except your own understanding.
"""

import jax, jax.numpy as jnp
import numpy as np

L = 2000000

def setup_inputs(seed: int = 0) -> dict:
    key = jax.random.key(seed)
    seq = jax.random.randint(key, (L,), 0, 5, dtype=jnp.int64)
    return {"seq": seq}

def reference(seq):
    # Faithful translation of Seq2Tensor.forward for an int-coded sequence:
    #   code = one_hot(seq, 5); rows where code[:,4]==1 are set entirely to 0.25;
    #   keep first 4 channels as float; transpose to [4, L].
    code = jax.nn.one_hot(seq, 5, dtype=jnp.float32)  # [L, 5]
    is_n = code[:, 4] == 1.0                          # [L]
    code = jnp.where(is_n[:, None], 0.25, code)       # row-wise overwrite, like code[mask] = 0.25
    code = code[:, :4].astype(jnp.float32)            # [L, 4]
    return code.T                                     # [4, L]

if __name__ == "__main__":
    import jax
    _d = setup_inputs()
    print(jax.jit(kernel)(*tuple(_d.values())))

</pallas_src>

<mosaic_0001>
#map = affine_map<(d0, d1) -> (0)>
#map1 = affine_map<(d0, d1) -> (0, 0)>
module attributes {stable_mosaic.version = 14 : i64} {
  func.func @run(%arg0: i32, %arg1: i32, %arg2: memref<2000000xi32, #tpu.memory_space<hbm>>, %arg3: memref<4x2000000xf32, #tpu.memory_space<hbm>>, %arg4: memref<2x3200xi32, #tpu.memory_space<vmem>>, %arg5: memref<2x4x3200xf32, #tpu.memory_space<vmem>>, %arg6: memref<!tpu.dma_semaphore, #tpu.memory_space<semaphore_mem>>, %arg7: memref<!tpu.dma_semaphore, #tpu.memory_space<semaphore_mem>>, %arg8: memref<!tpu.dma_semaphore, #tpu.memory_space<semaphore_mem>>, %arg9: memref<!tpu.dma_semaphore, #tpu.memory_space<semaphore_mem>>) attributes {dimension_semantics = [#tpu.dimension_semantics<core_parallel>, #tpu.dimension_semantics<subcore_parallel>], iteration_bounds = array<i64: 2, 16>, scalar_prefetch = 0 : i64, scratch_operands = 6 : i64, tpu.core_type = #tpu.core_type<sc_vector_subcore>, window_params = [{transform_indices = #map}, {transform_indices = #map1}]} {
    %mul3A = arith.constant 2 : i32
    %mul3A_0 = arith.muli %arg1, %mul3A : i32
    %add3A = arith.addi %mul3A_0, %arg0 : i32
    %add3A_1 = arith.constant 0 : i32
    %add3A_2 = arith.addi %add3A, %add3A_1 : i32
    %mul3A_3 = arith.constant 3200 : i32
    %mul3A_4 = arith.muli %add3A_2, %mul3A_3 : i32
    %dma_start3A = arith.constant 0 : i32
    %dma_start3A_5 = arith.constant 0 : i32
    %dma_start3A_6 = tpu.memref_slice %arg4[%dma_start3A, %dma_start3A_5] : memref<2x3200xi32, #tpu.memory_space<vmem>> -> memref<1x3200xi32, #tpu.memory_space<vmem>>
    %dma_start3A_7 = tpu.memref_squeeze %dma_start3A_6 : memref<1x3200xi32, #tpu.memory_space<vmem>> -> memref<3200xi32, #tpu.memory_space<vmem>>
    %dma_start3A_8 = tpu.memref_slice %arg2[%mul3A_4] : memref<2000000xi32, #tpu.memory_space<hbm>> -> memref<3200xi32, #tpu.memory_space<hbm>>
    %dma_start3A_9 = arith.constant 0 : i32
    %dma_start3A_10 = tpu.memref_slice %arg4[%dma_start3A, %dma_start3A_9] : memref<2x3200xi32, #tpu.memory_space<vmem>> -> memref<1x3200xi32, #tpu.memory_space<vmem>>
    %dma_start3A_11 = tpu.memref_squeeze %dma_start3A_10 : memref<1x3200xi32, #tpu.memory_space<vmem>> -> memref<3200xi32, #tpu.memory_space<vmem>>
    %dma_start3A_12 = tpu.memref_slice %arg2[%mul3A_4] : memref<2000000xi32, #tpu.memory_space<hbm>> -> memref<3200xi32, #tpu.memory_space<hbm>>
    tpu.enqueue_dma source(%dma_start3A_12 : memref<3200xi32, #tpu.memory_space<hbm>>) target(%dma_start3A_11 : memref<3200xi32, #tpu.memory_space<vmem>>) target_semaphore(%arg6 : memref<!tpu.dma_semaphore, #tpu.memory_space<semaphore_mem>>)
    %add3A_13 = arith.constant 32 : i32
    %add3A_14 = arith.addi %add3A, %add3A_13 : i32
    %mul3A_15 = arith.constant 3200 : i32
    %mul3A_16 = arith.muli %add3A_14, %mul3A_15 : i32
    %dma_start3A_17 = arith.constant 1 : i32
    %dma_start3A_18 = arith.constant 0 : i32
    %dma_start3A_19 = tpu.memref_slice %arg4[%dma_start3A_17, %dma_start3A_18] : memref<2x3200xi32, #tpu.memory_space<vmem>> -> memref<1x3200xi32, #tpu.memory_space<vmem>>
    %dma_start3A_20 = tpu.memref_squeeze %dma_start3A_19 : memref<1x3200xi32, #tpu.memory_space<vmem>> -> memref<3200xi32, #tpu.memory_space<vmem>>
    %dma_start3A_21 = tpu.memref_slice %arg2[%mul3A_16] : memref<2000000xi32, #tpu.memory_space<hbm>> -> memref<3200xi32, #tpu.memory_space<hbm>>
    %dma_start3A_22 = arith.constant 0 : i32
    %dma_start3A_23 = tpu.memref_slice %arg4[%dma_start3A_17, %dma_start3A_22] : memref<2x3200xi32, #tpu.memory_space<vmem>> -> memref<1x3200xi32, #tpu.memory_space<vmem>>
    %dma_start3A_24 = tpu.memref_squeeze %dma_start3A_23 : memref<1x3200xi32, #tpu.memory_space<vmem>> -> memref<3200xi32, #tpu.memory_space<vmem>>
    %dma_start3A_25 = tpu.memref_slice %arg2[%mul3A_16] : memref<2000000xi32, #tpu.memory_space<hbm>> -> memref<3200xi32, #tpu.memory_space<hbm>>
    tpu.enqueue_dma source(%dma_start3A_25 : memref<3200xi32, #tpu.memory_space<hbm>>) target(%dma_start3A_24 : memref<3200xi32, #tpu.memory_space<vmem>>) target_semaphore(%arg7 : memref<!tpu.dma_semaphore, #tpu.memory_space<semaphore_mem>>)
    %scan3A = arith.constant 0 : i32
    %scan3A_26 = arith.constant 0 : i32
    %scan3A_27 = arith.constant 10 : i32
    %scan3A_28 = arith.addi %scan3A_26, %scan3A_27 : i32
    %scan3A_29 = arith.constant 1 : i32
    scf.for %scan3A_51 = %scan3A_26 to %scan3A_28 step %scan3A_29  : i32 {
      %mul3A_52 = arith.constant 2 : i32
      %mul3A_53 = arith.muli %scan3A_51, %mul3A_52 : i32
      %add3A_54 = arith.constant 0 : i32
      %add3A_55 = arith.addi %mul3A_53, %add3A_54 : i32
      %mul3A_56 = arith.constant 32 : i32
      %mul3A_57 = arith.muli %add3A_55, %mul3A_56 : i32
      %add3A_58 = arith.addi %add3A, %mul3A_57 : i32
      %lt3A_59 = arith.constant 625 : i32
      %lt3A_60 = arith.cmpi slt, %add3A_58, %lt3A_59 : i32
      %convert_element_type3A_61 = arith.extui %lt3A_60 : i1 to i32
      %cond3A_62 = arith.constant 0 : i32
      %cond3A_63 = arith.cmpi ne, %convert_element_type3A_61, %cond3A_62 : i32
      scf.if %cond3A_63 {
        %mul3A_131 = arith.constant 32 : i32
        %mul3A_132 = arith.muli %add3A_55, %mul3A_131 : i32
        %add3A_133 = arith.addi %add3A, %mul3A_132 : i32
        %mul3A_134 = arith.constant 3200 : i32
        %mul3A_135 = arith.muli %add3A_133, %mul3A_134 : i32
        %dma_wait3A_136 = arith.constant 0 : i32
        %dma_wait3A_137 = arith.constant 0 : i32
        %dma_wait3A_138 = tpu.memref_slice %arg4[%dma_wait3A_136, %dma_wait3A_137] : memref<2x3200xi32, #tpu.memory_space<vmem>> -> memref<1x3200xi32, #tpu.memory_space<vmem>>
        %dma_wait3A_139 = tpu.memref_squeeze %dma_wait3A_138 : memref<1x3200xi32, #tpu.memory_space<vmem>> -> memref<3200xi32, #tpu.memory_space<vmem>>
        %dma_wait3A_140 = tpu.memref_slice %arg2[%mul3A_135] : memref<2000000xi32, #tpu.memory_space<hbm>> -> memref<3200xi32, #tpu.memory_space<hbm>>
        %dma_wait3A_141 = arith.constant 0 : i32
        %dma_wait3A_142 = tpu.memref_slice %arg4[%dma_wait3A_136, %dma_wait3A_141] : memref<2x3200xi32, #tpu.memory_space<vmem>> -> memref<1x3200xi32, #tpu.memory_space<vmem>>
        %dma_wait3A_143 = tpu.memref_squeeze %dma_wait3A_142 : memref<1x3200xi32, #tpu.memory_space<vmem>> -> memref<3200xi32, #tpu.memory_space<vmem>>
        %dma_wait3A_144 = tpu.memref_slice %arg2[%mul3A_135] : memref<2000000xi32, #tpu.memory_space<hbm>> -> memref<3200xi32, #tpu.memory_space<hbm>>
        tpu.wait_dma2 semaphore(%arg6 : memref<!tpu.dma_semaphore, #tpu.memory_space<semaphore_mem>>) src(%dma_wait3A_144 : memref<3200xi32, #tpu.memory_space<hbm>>) dst(%dma_wait3A_143 : memref<3200xi32, #tpu.memory_space<vmem>>)
      } else {
      }
      %ge3A = arith.constant 1 : i32
      %ge3A_64 = arith.cmpi sge, %scan3A_51, %ge3A : i32
      %convert_element_type3A_65 = arith.extui %ge3A_64 : i1 to i32
      %cond3A_66 = arith.constant 0 : i32
      %cond3A_67 = arith.cmpi ne, %convert_element_type3A_65, %cond3A_66 : i32
      scf.if %cond3A_67 {
        %sub3A = arith.constant 2 : i32
        %sub3A_131 = arith.subi %add3A_55, %sub3A : i32
        %mul3A_132 = arith.constant 32 : i32
        %mul3A_133 = arith.muli %sub3A_131, %mul3A_132 : i32
        %add3A_134 = arith.addi %add3A, %mul3A_133 : i32
        %mul3A_135 = arith.constant 3200 : i32
        %mul3A_136 = arith.muli %add3A_134, %mul3A_135 : i32
        %dma_wait3A_137 = arith.constant 0 : i32
        %dma_wait3A_138 = arith.constant 0 : i32
        %dma_wait3A_139 = arith.constant 0 : i32
        %dma_wait3A_140 = tpu.memref_slice %arg5[%dma_wait3A_137, %dma_wait3A_138, %dma_wait3A_139] : memref<2x4x3200xf32, #tpu.memory_space<vmem>> -> memref<1x4x3200xf32, #tpu.memory_space<vmem>>
        %dma_wait3A_141 = tpu.memref_squeeze %dma_wait3A_140 : memref<1x4x3200xf32, #tpu.memory_space<vmem>> -> memref<4x3200xf32, #tpu.memory_space<vmem>>
        %dma_wait3A_142 = arith.constant 0 : i32
        %dma_wait3A_143 = tpu.memref_slice %arg3[%dma_wait3A_142, %mul3A_136] : memref<4x2000000xf32, #tpu.memory_space<hbm>> -> memref<4x3200xf32, #tpu.memory_space<hbm>>
        %dma_wait3A_144 = arith.constant 0 : i32
        %dma_wait3A_145 = tpu.memref_slice %arg3[%dma_wait3A_144, %mul3A_136] : memref<4x2000000xf32, #tpu.memory_space<hbm>> -> memref<4x3200xf32, #tpu.memory_space<hbm>>
        %dma_wait3A_146 = arith.constant 0 : i32
        %dma_wait3A_147 = arith.constant 0 : i32
        %dma_wait3A_148 = tpu.memref_slice %arg5[%dma_wait3A_137, %dma_wait3A_146, %dma_wait3A_147] : memref<2x4x3200xf32, #tpu.memory_space<vmem>> -> memref<1x4x3200xf32, #tpu.memory_space<vmem>>
        %dma_wait3A_149 = tpu.memref_squeeze %dma_wait3A_148 : memref<1x4x3200xf32, #tpu.memory_space<vmem>> -> memref<4x3200xf32, #tpu.memory_space<vmem>>
        tpu.wait_dma2 semaphore(%arg8 : memref<!tpu.dma_semaphore, #tpu.memory_space<semaphore_mem>>) src(%dma_wait3A_149 : memref<4x3200xf32, #tpu.memory_space<vmem>>) dst(%dma_wait3A_145 : memref<4x3200xf32, #tpu.memory_space<hbm>>)
      } else {
      }
      %parallel_loop3A = arith.constant 0 : i32
      %parallel_loop3A_68 = arith.constant 3200 : i32
      %parallel_loop3A_69 = arith.constant 16 : i32
      scf.for %parallel_loop3A_131 = %parallel_loop3A to %parallel_loop3A_68 step %parallel_loop3A_69  : i32 {
        %parallel_loop3A_132 = arith.constant 0 : i32
        %parallel_loop3A_133 = arith.index_cast %parallel_loop3A_132 : i32 to index
        %parallel_loop3A_134 = arith.index_cast %parallel_loop3A_131 : i32 to index
        %parallel_loop3A_135 = tpu.vector_load %arg4[%parallel_loop3A_133, %parallel_loop3A_134] {strides = array<i32>} : memref<2x3200xi32, #tpu.memory_space<vmem>>, vector<1x16xi32>,
        %parallel_loop3A_136 = vector.shape_cast %parallel_loop3A_135 : vector<1x16xi32> to vector<16xi32>
        %parallel_loop3A_137 = arith.constant 4 : i32
        %parallel_loop3A_138 = vector.broadcast %parallel_loop3A_137 : i32 to vector<16xi32>
        %parallel_loop3A_139 = arith.cmpi eq, %parallel_loop3A_136, %parallel_loop3A_138 : vector<16xi32>
        %parallel_loop3A_140 = arith.constant 2.500000e-01 : f32
        %parallel_loop3A_141 = arith.constant 0.000000e+00 : f32
        %parallel_loop3A_142 = vector.broadcast %parallel_loop3A_140 : f32 to vector<16xf32>
        %parallel_loop3A_143 = vector.broadcast %parallel_loop3A_141 : f32 to vector<16xf32>
        %parallel_loop3A_144 = arith.select %parallel_loop3A_139, %parallel_loop3A_142, %parallel_loop3A_143 : vector<16xi1>, vector<16xf32>
        %parallel_loop3A_145 = arith.constant 0 : i32
        %parallel_loop3A_146 = vector.broadcast %parallel_loop3A_145 : i32 to vector<16xi32>
        %parallel_loop3A_147 = arith.cmpi eq, %parallel_loop3A_136, %parallel_loop3A_146 : vector<16xi32>
        %parallel_loop3A_148 = arith.constant 1.000000e+00 : f32
        %parallel_loop3A_149 = vector.broadcast %parallel_loop3A_148 : f32 to vector<16xf32>
        %parallel_loop3A_150 = arith.select %parallel_loop3A_147, %parallel_loop3A_149, %parallel_loop3A_144 : vector<16xi1>, vector<16xf32>
        %parallel_loop3A_151 = arith.constant 0 : i32
        %parallel_loop3A_152 = arith.constant 0 : i32
        %parallel_loop3A_153 = arith.index_cast %parallel_loop3A_151 : i32 to index
        %parallel_loop3A_154 = arith.index_cast %parallel_loop3A_152 : i32 to index
        %parallel_loop3A_155 = arith.index_cast %parallel_loop3A_131 : i32 to index
        %parallel_loop3A_156 = tpu.vector_load %arg5[%parallel_loop3A_153, %parallel_loop3A_154, %parallel_loop3A_155] {strides = array<i32>} : memref<2x4x3200xf32, #tpu.memory_space<vmem>>, vector<1x1x16xf32>,
        %parallel_loop3A_157 = vector.shape_cast %parallel_loop3A_156 : vector<1x1x16xf32> to vector<16xf32>
        %parallel_loop3A_158 = vector.shape_cast %parallel_loop3A_150 : vector<16xf32> to vector<1x1x16xf32>
        tpu.vector_store %arg5[%parallel_loop3A_153, %parallel_loop3A_154, %parallel_loop3A_155], %parallel_loop3A_158 {strides = array<i32>} : memref<2x4x3200xf32, #tpu.memory_space<vmem>>, vector<1x1x16xf32>,
        %parallel_loop3A_159 = arith.constant 1 : i32
        %parallel_loop3A_160 = vector.broadcast %parallel_loop3A_159 : i32 to vector<16xi32>
        %parallel_loop3A_161 = arith.cmpi eq, %parallel_loop3A_136, %parallel_loop3A_160 : vector<16xi32>
        %parallel_loop3A_162 = arith.constant 1.000000e+00 : f32
        %parallel_loop3A_163 = vector.broadcast %parallel_loop3A_162 : f32 to vector<16xf32>
        %parallel_loop3A_164 = arith.select %parallel_loop3A_161, %parallel_loop3A_163, %parallel_loop3A_144 : vector<16xi1>, vector<16xf32>
        %parallel_loop3A_165 = arith.constant 0 : i32
        %parallel_loop3A_166 = arith.constant 1 : i32
        %parallel_loop3A_167 = arith.index_cast %parallel_loop3A_165 : i32 to index
        %parallel_loop3A_168 = arith.index_cast %parallel_loop3A_166 : i32 to index
        %parallel_loop3A_169 = arith.index_cast %parallel_loop3A_131 : i32 to index
        %parallel_loop3A_170 = tpu.vector_load %arg5[%parallel_loop3A_167, %parallel_loop3A_168, %parallel_loop3A_169] {strides = array<i32>} : memref<2x4x3200xf32, #tpu.memory_space<vmem>>, vector<1x1x16xf32>,
        %parallel_loop3A_171 = vector.shape_cast %parallel_loop3A_170 : vector<1x1x16xf32> to vector<16xf32>
        %parallel_loop3A_172 = vector.shape_cast %parallel_loop3A_164 : vector<16xf32> to vector<1x1x16xf32>
        tpu.vector_store %arg5[%parallel_loop3A_167, %parallel_loop3A_168, %parallel_loop3A_169], %parallel_loop3A_172 {strides = array<i32>} : memref<2x4x3200xf32, #tpu.memory_space<vmem>>, vector<1x1x16xf32>,
        %parallel_loop3A_173 = arith.constant 2 : i32
        %parallel_loop3A_174 = vector.broadcast %parallel_loop3A_173 : i32 to vector<16xi32>
        %parallel_loop3A_175 = arith.cmpi eq, %parallel_loop3A_136, %parallel_loop3A_174 : vector<16xi32>
        %parallel_loop3A_176 = arith.constant 1.000000e+00 : f32
        %parallel_loop3A_177 = vector.broadcast %parallel_loop3A_176 : f32 to vector<16xf32>
        %parallel_loop3A_178 = arith.select %parallel_loop3A_175, %parallel_loop3A_177, %parallel_loop3A_144 : vector<16xi1>, vector<16xf32>
        %parallel_loop3A_179 = arith.constant 0 : i32
        %parallel_loop3A_180 = arith.constant 2 : i32
        %parallel_loop3A_181 = arith.index_cast %parallel_loop3A_179 : i32 to index
        %parallel_loop3A_182 = arith.index_cast %parallel_loop3A_180 : i32 to index
        %parallel_loop3A_183 = arith.index_cast %parallel_loop3A_131 : i32 to index
        %parallel_loop3A_184 = tpu.vector_load %arg5[%parallel_loop3A_181, %parallel_loop3A_182, %parallel_loop3A_183] {strides = array<i32>} : memref<2x4x3200xf32, #tpu.memory_space<vmem>>, vector<1x1x16xf32>,
        %parallel_loop3A_185 = vector.shape_cast %parallel_loop3A_184 : vector<1x1x16xf32> to vector<16xf32>
        %parallel_loop3A_186 = vector.shape_cast %parallel_loop3A_178 : vector<16xf32> to vector<1x1x16xf32>
        tpu.vector_store %arg5[%parallel_loop3A_181, %parallel_loop3A_182, %parallel_loop3A_183], %parallel_loop3A_186 {strides = array<i32>} : memref<2x4x3200xf32, #tpu.memory_space<vmem>>, vector<1x1x16xf32>,
        %parallel_loop3A_187 = arith.constant 3 : i32
        %parallel_loop3A_188 = vector.broadcast %parallel_loop3A_187 : i32 to vector<16xi32>
        %parallel_loop3A_189 = arith.cmpi eq, %parallel_loop3A_136, %parallel_loop3A_188 : vector<16xi32>
        %parallel_loop3A_190 = arith.constant 1.000000e+00 : f32
        %parallel_loop3A_191 = vector.broadcast %parallel_loop3A_190 : f32 to vector<16xf32>
        %parallel_loop3A_192 = arith.select %parallel_loop3A_189, %parallel_loop3A_191, %parallel_loop3A_144 : vector<16xi1>, vector<16xf32>
        %parallel_loop3A_193 = arith.constant 0 : i32
        %parallel_loop3A_194 = arith.constant 3 : i32
        %parallel_loop3A_195 = arith.index_cast %parallel_loop3A_193 : i32 to index
        %parallel_loop3A_196 = arith.index_cast %parallel_loop3A_194 : i32 to index
        %parallel_loop3A_197 = arith.index_cast %parallel_loop3A_131 : i32 to index
        %parallel_loop3A_198 = tpu.vector_load %arg5[%parallel_loop3A_195, %parallel_loop3A_196, %parallel_loop3A_197] {strides = array<i32>} : memref<2x4x3200xf32, #tpu.memory_space<vmem>>, vector<1x1x16xf32>,
        %parallel_loop3A_199 = vector.shape_cast %parallel_loop3A_198 : vector<1x1x16xf32> to vector<16xf32>
        %parallel_loop3A_200 = vector.shape_cast %parallel_loop3A_192 : vector<16xf32> to vector<1x1x16xf32>
        tpu.vector_store %arg5[%parallel_loop3A_195, %parallel_loop3A_196, %parallel_loop3A_197], %parallel_loop3A_200 {strides = array<i32>} : memref<2x4x3200xf32, #tpu.memory_space<vmem>>, vector<1x1x16xf32>,
      } {sc.loop_unroll_factor = 4 : i64, sc.parallel_access}
      %mul3A_70 = arith.constant 32 : i32
      %mul3A_71 = arith.muli %add3A_55, %mul3A_70 : i32
      %add3A_72 = arith.addi %add3A, %mul3A_71 : i32
      %lt3A_73 = arith.constant 625 : i32
      %lt3A_74 = arith.cmpi slt, %add3A_72, %lt3A_73 : i32
      %convert_element_type3A_75 = arith.extui %lt3A_74 : i1 to i32
      %cond3A_76 = arith.constant 0 : i32
      %cond3A_77 = arith.cmpi ne, %convert_element_type3A_75, %cond3A_76 : i32
      scf.if %cond3A_77 {
        %mul3A_131 = arith.constant 32 : i32
        %mul3A_132 = arith.muli %add3A_55, %mul3A_131 : i32
        %add3A_133 = arith.addi %add3A, %mul3A_132 : i32
        %mul3A_134 = arith.constant 3200 : i32
        %mul3A_135 = arith.muli %add3A_133, %mul3A_134 : i32
        %dma_start3A_136 = arith.constant 0 : i32
        %dma_start3A_137 = arith.constant 0 : i32
        %dma_start3A_138 = arith.constant 0 : i32
        %dma_start3A_139 = tpu.memref_slice %arg5[%dma_start3A_136, %dma_start3A_137, %dma_start3A_138] : memref<2x4x3200xf32, #tpu.memory_space<vmem>> -> memref<1x4x3200xf32, #tpu.memory_space<vmem>>
        %dma_start3A_140 = tpu.memref_squeeze %dma_start3A_139 : memref<1x4x3200xf32, #tpu.memory_space<vmem>> -> memref<4x3200xf32, #tpu.memory_space<vmem>>
        %dma_start3A_141 = arith.constant 0 : i32
        %dma_start3A_142 = tpu.memref_slice %arg3[%dma_start3A_141, %mul3A_135] : memref<4x2000000xf32, #tpu.memory_space<hbm>> -> memref<4x3200xf32, #tpu.memory_space<hbm>>
        %dma_start3A_143 = arith.constant 0 : i32
        %dma_start3A_144 = tpu.memref_slice %arg3[%dma_start3A_143, %mul3A_135] : memref<4x2000000xf32, #tpu.memory_space<hbm>> -> memref<4x3200xf32, #tpu.memory_space<hbm>>
        %dma_start3A_145 = arith.constant 0 : i32
        %dma_start3A_146 = arith.constant 0 : i32
        %dma_start3A_147 = tpu.memref_slice %arg5[%dma_start3A_136, %dma_start3A_145, %dma_start3A_146] : memref<2x4x3200xf32, #tpu.memory_space<vmem>> -> memref<1x4x3200xf32, #tpu.memory_space<vmem>>
        %dma_start3A_148 = tpu.memref_squeeze %dma_start3A_147 : memref<1x4x3200xf32, #tpu.memory_space<vmem>> -> memref<4x3200xf32, #tpu.memory_space<vmem>>
        tpu.enqueue_dma source(%dma_start3A_148 : memref<4x3200xf32, #tpu.memory_space<vmem>>) target(%dma_start3A_144 : memref<4x3200xf32, #tpu.memory_space<hbm>>) target_semaphore(%arg8 : memref<!tpu.dma_semaphore, #tpu.memory_space<semaphore_mem>>)
      } else {
      }
      %lt3A_78 = arith.constant 9 : i32
      %lt3A_79 = arith.cmpi slt, %scan3A_51, %lt3A_78 : i32
      %add3A_80 = arith.constant 2 : i32
      %add3A_81 = arith.addi %add3A_55, %add3A_80 : i32
      %mul3A_82 = arith.constant 32 : i32
      %mul3A_83 = arith.muli %add3A_81, %mul3A_82 : i32
      %add3A_84 = arith.addi %add3A, %mul3A_83 : i32
      %lt3A_85 = arith.constant 625 : i32
      %lt3A_86 = arith.cmpi slt, %add3A_84, %lt3A_85 : i32
      %and3A = arith.andi %lt3A_79, %lt3A_86 : i1
      %convert_element_type3A_87 = arith.extui %and3A : i1 to i32
      %cond3A_88 = arith.constant 0 : i32
      %cond3A_89 = arith.cmpi ne, %convert_element_type3A_87, %cond3A_88 : i32
      scf.if %cond3A_89 {
        %add3A_131 = arith.constant 2 : i32
        %add3A_132 = arith.addi %add3A_55, %add3A_131 : i32
        %mul3A_133 = arith.constant 32 : i32
        %mul3A_134 = arith.muli %add3A_132, %mul3A_133 : i32
        %add3A_135 = arith.addi %add3A, %mul3A_134 : i32
        %mul3A_136 = arith.constant 3200 : i32
        %mul3A_137 = arith.muli %add3A_135, %mul3A_136 : i32
        %dma_start3A_138 = arith.constant 0 : i32
        %dma_start3A_139 = arith.constant 0 : i32
        %dma_start3A_140 = tpu.memref_slice %arg4[%dma_start3A_138, %dma_start3A_139] : memref<2x3200xi32, #tpu.memory_space<vmem>> -> memref<1x3200xi32, #tpu.memory_space<vmem>>
        %dma_start3A_141 = tpu.memref_squeeze %dma_start3A_140 : memref<1x3200xi32, #tpu.memory_space<vmem>> -> memref<3200xi32, #tpu.memory_space<vmem>>
        %dma_start3A_142 = tpu.memref_slice %arg2[%mul3A_137] : memref<2000000xi32, #tpu.memory_space<hbm>> -> memref<3200xi32, #tpu.memory_space<hbm>>
        %dma_start3A_143 = arith.constant 0 : i32
        %dma_start3A_144 = tpu.memref_slice %arg4[%dma_start3A_138, %dma_start3A_143] : memref<2x3200xi32, #tpu.memory_space<vmem>> -> memref<1x3200xi32, #tpu.memory_space<vmem>>
        %dma_start3A_145 = tpu.memref_squeeze %dma_start3A_144 : memref<1x3200xi32, #tpu.memory_space<vmem>> -> memref<3200xi32, #tpu.memory_space<vmem>>
        %dma_start3A_146 = tpu.memref_slice %arg2[%mul3A_137] : memref<2000000xi32, #tpu.memory_space<hbm>> -> memref<3200xi32, #tpu.memory_space<hbm>>
        tpu.enqueue_dma source(%dma_start3A_146 : memref<3200xi32, #tpu.memory_space<hbm>>) target(%dma_start3A_145 : memref<3200xi32, #tpu.memory_space<vmem>>) target_semaphore(%arg6 : memref<!tpu.dma_semaphore, #tpu.memory_space<semaphore_mem>>)
      } else {
      }
      %mul3A_90 = arith.constant 2 : i32
      %mul3A_91 = arith.muli %scan3A_51, %mul3A_90 : i32
      %add3A_92 = arith.constant 1 : i32
      %add3A_93 = arith.addi %mul3A_91, %add3A_92 : i32
      %mul3A_94 = arith.constant 32 : i32
      %mul3A_95 = arith.muli %add3A_93, %mul3A_94 : i32
      %add3A_96 = arith.addi %add3A, %mul3A_95 : i32
      %lt3A_97 = arith.constant 625 : i32
      %lt3A_98 = arith.cmpi slt, %add3A_96, %lt3A_97 : i32
      %convert_element_type3A_99 = arith.extui %lt3A_98 : i1 to i32
      %cond3A_100 = arith.constant 0 : i32
      %cond3A_101 = arith.cmpi ne, %convert_element_type3A_99, %cond3A_100 : i32
      scf.if %cond3A_101 {
        %mul3A_131 = arith.constant 32 : i32
        %mul3A_132 = arith.muli %add3A_93, %mul3A_131 : i32
        %add3A_133 = arith.addi %add3A, %mul3A_132 : i32
        %mul3A_134 = arith.constant 3200 : i32
        %mul3A_135 = arith.muli %add3A_133, %mul3A_134 : i32
        %dma_wait3A_136 = arith.constant 1 : i32
        %dma_wait3A_137 = arith.constant 0 : i32
        %dma_wait3A_138 = tpu.memref_slice %arg4[%dma_wait3A_136, %dma_wait3A_137] : memref<2x3200xi32, #tpu.memory_space<vmem>> -> memref<1x3200xi32, #tpu.memory_space<vmem>>
        %dma_wait3A_139 = tpu.memref_squeeze %dma_wait3A_138 : memref<1x3200xi32, #tpu.memory_space<vmem>> -> memref<3200xi32, #tpu.memory_space<vmem>>
        %dma_wait3A_140 = tpu.memref_slice %arg2[%mul3A_135] : memref<2000000xi32, #tpu.memory_space<hbm>> -> memref<3200xi32, #tpu.memory_space<hbm>>
        %dma_wait3A_141 = arith.constant 0 : i32
        %dma_wait3A_142 = tpu.memref_slice %arg4[%dma_wait3A_136, %dma_wait3A_141] : memref<2x3200xi32, #tpu.memory_space<vmem>> -> memref<1x3200xi32, #tpu.memory_space<vmem>>
        %dma_wait3A_143 = tpu.memref_squeeze %dma_wait3A_142 : memref<1x3200xi32, #tpu.memory_space<vmem>> -> memref<3200xi32, #tpu.memory_space<vmem>>
        %dma_wait3A_144 = tpu.memref_slice %arg2[%mul3A_135] : memref<2000000xi32, #tpu.memory_space<hbm>> -> memref<3200xi32, #tpu.memory_space<hbm>>
        tpu.wait_dma2 semaphore(%arg7 : memref<!tpu.dma_semaphore, #tpu.memory_space<semaphore_mem>>) src(%dma_wait3A_144 : memref<3200xi32, #tpu.memory_space<hbm>>) dst(%dma_wait3A_143 : memref<3200xi32, #tpu.memory_space<vmem>>)
      } else {
      }
      %ge3A_102 = arith.constant 1 : i32
      %ge3A_103 = arith.cmpi sge, %scan3A_51, %ge3A_102 : i32
      %convert_element_type3A_104 = arith.extui %ge3A_103 : i1 to i32
      %cond3A_105 = arith.constant 0 : i32
      %cond3A_106 = arith.cmpi ne, %convert_element_type3A_104, %cond3A_105 : i32
      scf.if %cond3A_106 {
        %sub3A = arith.constant 2 : i32
        %sub3A_131 = arith.subi %add3A_93, %sub3A : i32
        %mul3A_132 = arith.constant 32 : i32
        %mul3A_133 = arith.muli %sub3A_131, %mul3A_132 : i32
        %add3A_134 = arith.addi %add3A, %mul3A_133 : i32
        %mul3A_135 = arith.constant 3200 : i32
        %mul3A_136 = arith.muli %add3A_134, %mul3A_135 : i32
        %dma_wait3A_137 = arith.constant 1 : i32
        %dma_wait3A_138 = arith.constant 0 : i32
        %dma_wait3A_139 = arith.constant 0 : i32
        %dma_wait3A_140 = tpu.memref_slice %arg5[%dma_wait3A_137, %dma_wait3A_138, %dma_wait3A_139] : memref<2x4x3200xf32, #tpu.memory_space<vmem>> -> memref<1x4x3200xf32, #tpu.memory_space<vmem>>
        %dma_wait3A_141 = tpu.memref_squeeze %dma_wait3A_140 : memref<1x4x3200xf32, #tpu.memory_space<vmem>> -> memref<4x3200xf32, #tpu.memory_space<vmem>>
        %dma_wait3A_142 = arith.constant 0 : i32
        %dma_wait3A_143 = tpu.memref_slice %arg3[%dma_wait3A_142, %mul3A_136] : memref<4x2000000xf32, #tpu.memory_space<hbm>> -> memref<4x3200xf32, #tpu.memory_space<hbm>>
        %dma_wait3A_144 = arith.constant 0 : i32
        %dma_wait3A_145 = tpu.memref_slice %arg3[%dma_wait3A_144, %mul3A_136] : memref<4x2000000xf32, #tpu.memory_space<hbm>> -> memref<4x3200xf32, #tpu.memory_space<hbm>>
        %dma_wait3A_146 = arith.constant 0 : i32
        %dma_wait3A_147 = arith.constant 0 : i32
        %dma_wait3A_148 = tpu.memref_slice %arg5[%dma_wait3A_137, %dma_wait3A_146, %dma_wait3A_147] : memref<2x4x3200xf32, #tpu.memory_space<vmem>> -> memref<1x4x3200xf32, #tpu.memory_space<vmem>>
        %dma_wait3A_149 = tpu.memref_squeeze %dma_wait3A_148 : memref<1x4x3200xf32, #tpu.memory_space<vmem>> -> memref<4x3200xf32, #tpu.memory_space<vmem>>
        tpu.wait_dma2 semaphore(%arg9 : memref<!tpu.dma_semaphore, #tpu.memory_space<semaphore_mem>>) src(%dma_wait3A_149 : memref<4x3200xf32, #tpu.memory_space<vmem>>) dst(%dma_wait3A_145 : memref<4x3200xf32, #tpu.memory_space<hbm>>)
      } else {
      }
      %parallel_loop3A_107 = arith.constant 0 : i32
      %parallel_loop3A_108 = arith.constant 3200 : i32
      %parallel_loop3A_109 = arith.constant 16 : i32
      scf.for %parallel_loop3A_131 = %parallel_loop3A_107 to %parallel_loop3A_108 step %parallel_loop3A_109  : i32 {
        %parallel_loop3A_132 = arith.constant 1 : i32
        %parallel_loop3A_133 = arith.index_cast %parallel_loop3A_132 : i32 to index
        %parallel_loop3A_134 = arith.index_cast %parallel_loop3A_131 : i32 to index
        %parallel_loop3A_135 = tpu.vector_load %arg4[%parallel_loop3A_133, %parallel_loop3A_134] {strides = array<i32>} : memref<2x3200xi32, #tpu.memory_space<vmem>>, vector<1x16xi32>,
        %parallel_loop3A_136 = vector.shape_cast %parallel_loop3A_135 : vector<1x16xi32> to vector<16xi32>
        %parallel_loop3A_137 = arith.constant 4 : i32
        %parallel_loop3A_138 = vector.broadcast %parallel_loop3A_137 : i32 to vector<16xi32>
        %parallel_loop3A_139 = arith.cmpi eq, %parallel_loop3A_136, %parallel_loop3A_138 : vector<16xi32>
        %parallel_loop3A_140 = arith.constant 2.500000e-01 : f32
        %parallel_loop3A_141 = arith.constant 0.000000e+00 : f32
        %parallel_loop3A_142 = vector.broadcast %parallel_loop3A_140 : f32 to vector<16xf32>
        %parallel_loop3A_143 = vector.broadcast %parallel_loop3A_141 : f32 to vector<16xf32>
        %parallel_loop3A_144 = arith.select %parallel_loop3A_139, %parallel_loop3A_142, %parallel_loop3A_143 : vector<16xi1>, vector<16xf32>
        %parallel_loop3A_145 = arith.constant 0 : i32
        %parallel_loop3A_146 = vector.broadcast %parallel_loop3A_145 : i32 to vector<16xi32>
        %parallel_loop3A_147 = arith.cmpi eq, %parallel_loop3A_136, %parallel_loop3A_146 : vector<16xi32>
        %parallel_loop3A_148 = arith.constant 1.000000e+00 : f32
        %parallel_loop3A_149 = vector.broadcast %parallel_loop3A_148 : f32 to vector<16xf32>
        %parallel_loop3A_150 = arith.select %parallel_loop3A_147, %parallel_loop3A_149, %parallel_loop3A_144 : vector<16xi1>, vector<16xf32>
        %parallel_loop3A_151 = arith.constant 1 : i32
        %parallel_loop3A_152 = arith.constant 0 : i32
        %parallel_loop3A_153 = arith.index_cast %parallel_loop3A_151 : i32 to index
        %parallel_loop3A_154 = arith.index_cast %parallel_loop3A_152 : i32 to index
        %parallel_loop3A_155 = arith.index_cast %parallel_loop3A_131 : i32 to index
        %parallel_loop3A_156 = tpu.vector_load %arg5[%parallel_loop3A_153, %parallel_loop3A_154, %parallel_loop3A_155] {strides = array<i32>} : memref<2x4x3200xf32, #tpu.memory_space<vmem>>, vector<1x1x16xf32>,
        %parallel_loop3A_157 = vector.shape_cast %parallel_loop3A_156 : vector<1x1x16xf32> to vector<16xf32>
        %parallel_loop3A_158 = vector.shape_cast %parallel_loop3A_150 : vector<16xf32> to vector<1x1x16xf32>
        tpu.vector_store %arg5[%parallel_loop3A_153, %parallel_loop3A_154, %parallel_loop3A_155], %parallel_loop3A_158 {strides = array<i32>} : memref<2x4x3200xf32, #tpu.memory_space<vmem>>, vector<1x1x16xf32>,
        %parallel_loop3A_159 = arith.constant 1 : i32
        %parallel_loop3A_160 = vector.broadcast %parallel_loop3A_159 : i32 to vector<16xi32>
        %parallel_loop3A_161 = arith.cmpi eq, %parallel_loop3A_136, %parallel_loop3A_160 : vector<16xi32>
        %parallel_loop3A_162 = arith.constant 1.000000e+00 : f32
        %parallel_loop3A_163 = vector.broadcast %parallel_loop3A_162 : f32 to vector<16xf32>
        %parallel_loop3A_164 = arith.select %parallel_loop3A_161, %parallel_loop3A_163, %parallel_loop3A_144 : vector<16xi1>, vector<16xf32>
        %parallel_loop3A_165 = arith.constant 1 : i32
        %parallel_loop3A_166 = arith.constant 1 : i32
        %parallel_loop3A_167 = arith.index_cast %parallel_loop3A_165 : i32 to index
        %parallel_loop3A_168 = arith.index_cast %parallel_loop3A_166 : i32 to index
        %parallel_loop3A_169 = arith.index_cast %parallel_loop3A_131 : i32 to index
        %parallel_loop3A_170 = tpu.vector_load %arg5[%parallel_loop3A_167, %parallel_loop3A_168, %parallel_loop3A_169] {strides = array<i32>} : memref<2x4x3200xf32, #tpu.memory_space<vmem>>, vector<1x1x16xf32>,
        %parallel_loop3A_171 = vector.shape_cast %parallel_loop3A_170 : vector<1x1x16xf32> to vector<16xf32>
        %parallel_loop3A_172 = vector.shape_cast %parallel_loop3A_164 : vector<16xf32> to vector<1x1x16xf32>
        tpu.vector_store %arg5[%parallel_loop3A_167, %parallel_loop3A_168, %parallel_loop3A_169], %parallel_loop3A_172 {strides = array<i32>} : memref<2x4x3200xf32, #tpu.memory_space<vmem>>, vector<1x1x16xf32>,
        %parallel_loop3A_173 = arith.constant 2 : i32
        %parallel_loop3A_174 = vector.broadcast %parallel_loop3A_173 : i32 to vector<16xi32>
        %parallel_loop3A_175 = arith.cmpi eq, %parallel_loop3A_136, %parallel_loop3A_174 : vector<16xi32>
        %parallel_loop3A_176 = arith.constant 1.000000e+00 : f32
        %parallel_loop3A_177 = vector.broadcast %parallel_loop3A_176 : f32 to vector<16xf32>
        %parallel_loop3A_178 = arith.select %parallel_loop3A_175, %parallel_loop3A_177, %parallel_loop3A_144 : vector<16xi1>, vector<16xf32>
        %parallel_loop3A_179 = arith.constant 1 : i32
        %parallel_loop3A_180 = arith.constant 2 : i32
        %parallel_loop3A_181 = arith.index_cast %parallel_loop3A_179 : i32 to index
        %parallel_loop3A_182 = arith.index_cast %parallel_loop3A_180 : i32 to index
        %parallel_loop3A_183 = arith.index_cast %parallel_loop3A_131 : i32 to index
        %parallel_loop3A_184 = tpu.vector_load %arg5[%parallel_loop3A_181, %parallel_loop3A_182, %parallel_loop3A_183] {strides = array<i32>} : memref<2x4x3200xf32, #tpu.memory_space<vmem>>, vector<1x1x16xf32>,
        %parallel_loop3A_185 = vector.shape_cast %parallel_loop3A_184 : vector<1x1x16xf32> to vector<16xf32>
        %parallel_loop3A_186 = vector.shape_cast %parallel_loop3A_178 : vector<16xf32> to vector<1x1x16xf32>
        tpu.vector_store %arg5[%parallel_loop3A_181, %parallel_loop3A_182, %parallel_loop3A_183], %parallel_loop3A_186 {strides = array<i32>} : memref<2x4x3200xf32, #tpu.memory_space<vmem>>, vector<1x1x16xf32>,
        %parallel_loop3A_187 = arith.constant 3 : i32
        %parallel_loop3A_188 = vector.broadcast %parallel_loop3A_187 : i32 to vector<16xi32>
        %parallel_loop3A_189 = arith.cmpi eq, %parallel_loop3A_136, %parallel_loop3A_188 : vector<16xi32>
        %parallel_loop3A_190 = arith.constant 1.000000e+00 : f32
        %parallel_loop3A_191 = vector.broadcast %parallel_loop3A_190 : f32 to vector<16xf32>
        %parallel_loop3A_192 = arith.select %parallel_loop3A_189, %parallel_loop3A_191, %parallel_loop3A_144 : vector<16xi1>, vector<16xf32>
        %parallel_loop3A_193 = arith.constant 1 : i32
        %parallel_loop3A_194 = arith.constant 3 : i32
        %parallel_loop3A_195 = arith.index_cast %parallel_loop3A_193 : i32 to index
        %parallel_loop3A_196 = arith.index_cast %parallel_loop3A_194 : i32 to index
        %parallel_loop3A_197 = arith.index_cast %parallel_loop3A_131 : i32 to index
        %parallel_loop3A_198 = tpu.vector_load %arg5[%parallel_loop3A_195, %parallel_loop3A_196, %parallel_loop3A_197] {strides = array<i32>} : memref<2x4x3200xf32, #tpu.memory_space<vmem>>, vector<1x1x16xf32>,
        %parallel_loop3A_199 = vector.shape_cast %parallel_loop3A_198 : vector<1x1x16xf32> to vector<16xf32>
        %parallel_loop3A_200 = vector.shape_cast %parallel_loop3A_192 : vector<16xf32> to vector<1x1x16xf32>
        tpu.vector_store %arg5[%parallel_loop3A_195, %parallel_loop3A_196, %parallel_loop3A_197], %parallel_loop3A_200 {strides = array<i32>} : memref<2x4x3200xf32, #tpu.memory_space<vmem>>, vector<1x1x16xf32>,
      } {sc.loop_unroll_factor = 4 : i64, sc.parallel_access}
      %mul3A_110 = arith.constant 32 : i32
      %mul3A_111 = arith.muli %add3A_93, %mul3A_110 : i32
      %add3A_112 = arith.addi %add3A, %mul3A_111 : i32
      %lt3A_113 = arith.constant 625 : i32
      %lt3A_114 = arith.cmpi slt, %add3A_112, %lt3A_113 : i32
      %convert_element_type3A_115 = arith.extui %lt3A_114 : i1 to i32
      %cond3A_116 = arith.constant 0 : i32
      %cond3A_117 = arith.cmpi ne, %convert_element_type3A_115, %cond3A_116 : i32
      scf.if %cond3A_117 {
        %mul3A_131 = arith.constant 32 : i32
        %mul3A_132 = arith.muli %add3A_93, %mul3A_131 : i32
        %add3A_133 = arith.addi %add3A, %mul3A_132 : i32
        %mul3A_134 = arith.constant 3200 : i32
        %mul3A_135 = arith.muli %add3A_133, %mul3A_134 : i32
        %dma_start3A_136 = arith.constant 1 : i32
        %dma_start3A_137 = arith.constant 0 : i32
        %dma_start3A_138 = arith.constant 0 : i32
        %dma_start3A_139 = tpu.memref_slice %arg5[%dma_start3A_136, %dma_start3A_137, %dma_start3A_138] : memref<2x4x3200xf32, #tpu.memory_space<vmem>> -> memref<1x4x3200xf32, #tpu.memory_space<vmem>>
        %dma_start3A_140 = tpu.memref_squeeze %dma_start3A_139 : memref<1x4x3200xf32, #tpu.memory_space<vmem>> -> memref<4x3200xf32, #tpu.memory_space<vmem>>
        %dma_start3A_141 = arith.constant 0 : i32
        %dma_start3A_142 = tpu.memref_slice %arg3[%dma_start3A_141, %mul3A_135] : memref<4x2000000xf32, #tpu.memory_space<hbm>> -> memref<4x3200xf32, #tpu.memory_space<hbm>>
        %dma_start3A_143 = arith.constant 0 : i32
        %dma_start3A_144 = tpu.memref_slice %arg3[%dma_start3A_143, %mul3A_135] : memref<4x2000000xf32, #tpu.memory_space<hbm>> -> memref<4x3200xf32, #tpu.memory_space<hbm>>
        %dma_start3A_145 = arith.constant 0 : i32
        %dma_start3A_146 = arith.constant 0 : i32
        %dma_start3A_147 = tpu.memref_slice %arg5[%dma_start3A_136, %dma_start3A_145, %dma_start3A_146] : memref<2x4x3200xf32, #tpu.memory_space<vmem>> -> memref<1x4x3200xf32, #tpu.memory_space<vmem>>
        %dma_start3A_148 = tpu.memref_squeeze %dma_start3A_147 : memref<1x4x3200xf32, #tpu.memory_space<vmem>> -> memref<4x3200xf32, #tpu.memory_space<vmem>>
        tpu.enqueue_dma source(%dma_start3A_148 : memref<4x3200xf32, #tpu.memory_space<vmem>>) target(%dma_start3A_144 : memref<4x3200xf32, #tpu.memory_space<hbm>>) target_semaphore(%arg9 : memref<!tpu.dma_semaphore, #tpu.memory_space<semaphore_mem>>)
      } else {
      }
      %lt3A_118 = arith.constant 9 : i32
      %lt3A_119 = arith.cmpi slt, %scan3A_51, %lt3A_118 : i32
      %add3A_120 = arith.constant 2 : i32
      %add3A_121 = arith.addi %add3A_93, %add3A_120 : i32
      %mul3A_122 = arith.constant 32 : i32
      %mul3A_123 = arith.muli %add3A_121, %mul3A_122 : i32
      %add3A_124 = arith.addi %add3A, %mul3A_123 : i32
      %lt3A_125 = arith.constant 625 : i32
      %lt3A_126 = arith.cmpi slt, %add3A_124, %lt3A_125 : i32
      %and3A_127 = arith.andi %lt3A_119, %lt3A_126 : i1
      %convert_element_type3A_128 = arith.extui %and3A_127 : i1 to i32
      %cond3A_129 = arith.constant 0 : i32
      %cond3A_130 = arith.cmpi ne, %convert_element_type3A_128, %cond3A_129 : i32
      scf.if %cond3A_130 {
        %add3A_131 = arith.constant 2 : i32
        %add3A_132 = arith.addi %add3A_93, %add3A_131 : i32
        %mul3A_133 = arith.constant 32 : i32
        %mul3A_134 = arith.muli %add3A_132, %mul3A_133 : i32
        %add3A_135 = arith.addi %add3A, %mul3A_134 : i32
        %mul3A_136 = arith.constant 3200 : i32
        %mul3A_137 = arith.muli %add3A_135, %mul3A_136 : i32
        %dma_start3A_138 = arith.constant 1 : i32
        %dma_start3A_139 = arith.constant 0 : i32
        %dma_start3A_140 = tpu.memref_slice %arg4[%dma_start3A_138, %dma_start3A_139] : memref<2x3200xi32, #tpu.memory_space<vmem>> -> memref<1x3200xi32, #tpu.memory_space<vmem>>
        %dma_start3A_141 = tpu.memref_squeeze %dma_start3A_140 : memref<1x3200xi32, #tpu.memory_space<vmem>> -> memref<3200xi32, #tpu.memory_space<vmem>>
        %dma_start3A_142 = tpu.memref_slice %arg2[%mul3A_137] : memref<2000000xi32, #tpu.memory_space<hbm>> -> memref<3200xi32, #tpu.memory_space<hbm>>
        %dma_start3A_143 = arith.constant 0 : i32
        %dma_start3A_144 = tpu.memref_slice %arg4[%dma_start3A_138, %dma_start3A_143] : memref<2x3200xi32, #tpu.memory_space<vmem>> -> memref<1x3200xi32, #tpu.memory_space<vmem>>
        %dma_start3A_145 = tpu.memref_squeeze %dma_start3A_144 : memref<1x3200xi32, #tpu.memory_space<vmem>> -> memref<3200xi32, #tpu.memory_space<vmem>>
        %dma_start3A_146 = tpu.memref_slice %arg2[%mul3A_137] : memref<2000000xi32, #tpu.memory_space<hbm>> -> memref<3200xi32, #tpu.memory_space<hbm>>
        tpu.enqueue_dma source(%dma_start3A_146 : memref<3200xi32, #tpu.memory_space<hbm>>) target(%dma_start3A_145 : memref<3200xi32, #tpu.memory_space<vmem>>) target_semaphore(%arg7 : memref<!tpu.dma_semaphore, #tpu.memory_space<semaphore_mem>>)
      } else {
      }
    }
    %scan3A_30 = arith.constant 10 : i32
    %add3A_31 = arith.constant 576 : i32
    %add3A_32 = arith.addi %add3A, %add3A_31 : i32
    %mul3A_33 = arith.constant 3200 : i32
    %mul3A_34 = arith.muli %add3A_32, %mul3A_33 : i32
    %dma_wait3A = arith.constant 0 : i32
    %dma_wait3A_35 = arith.constant 0 : i32
    %dma_wait3A_36 = arith.constant 0 : i32
    %dma_wait3A_37 = tpu.memref_slice %arg5[%dma_wait3A, %dma_wait3A_35, %dma_wait3A_36] : memref<2x4x3200xf32, #tpu.memory_space<vmem>> -> memref<1x4x3200xf32, #tpu.memory_space<vmem>>
    %dma_wait3A_38 = tpu.memref_squeeze %dma_wait3A_37 : memref<1x4x3200xf32, #tpu.memory_space<vmem>> -> memref<4x3200xf32, #tpu.memory_space<vmem>>
    %dma_wait3A_39 = arith.constant 0 : i32
    %dma_wait3A_40 = tpu.memref_slice %arg3[%dma_wait3A_39, %mul3A_34] : memref<4x2000000xf32, #tpu.memory_space<hbm>> -> memref<4x3200xf32, #tpu.memory_space<hbm>>
    %dma_wait3A_41 = arith.constant 0 : i32
    %dma_wait3A_42 = tpu.memref_slice %arg3[%dma_wait3A_41, %mul3A_34] : memref<4x2000000xf32, #tpu.memory_space<hbm>> -> memref<4x3200xf32, #tpu.memory_space<hbm>>
    %dma_wait3A_43 = arith.constant 0 : i32
    %dma_wait3A_44 = arith.constant 0 : i32
    %dma_wait3A_45 = tpu.memref_slice %arg5[%dma_wait3A, %dma_wait3A_43, %dma_wait3A_44] : memref<2x4x3200xf32, #tpu.memory_space<vmem>> -> memref<1x4x3200xf32, #tpu.memory_space<vmem>>
    %dma_wait3A_46 = tpu.memref_squeeze %dma_wait3A_45 : memref<1x4x3200xf32, #tpu.memory_space<vmem>> -> memref<4x3200xf32, #tpu.memory_space<vmem>>
    tpu.wait_dma2 semaphore(%arg8 : memref<!tpu.dma_semaphore, #tpu.memory_space<semaphore_mem>>) src(%dma_wait3A_46 : memref<4x3200xf32, #tpu.memory_space<vmem>>) dst(%dma_wait3A_42 : memref<4x3200xf32, #tpu.memory_space<hbm>>)
    %add3A_47 = arith.constant 608 : i32
    %add3A_48 = arith.addi %add3A, %add3A_47 : i32
    %lt3A = arith.constant 625 : i32
    %lt3A_49 = arith.cmpi slt, %add3A_48, %lt3A : i32
    %convert_element_type3A = arith.extui %lt3A_49 : i1 to i32
    %cond3A = arith.constant 0 : i32
    %cond3A_50 = arith.cmpi ne, %convert_element_type3A, %cond3A : i32
    scf.if %cond3A_50 {
      %add3A_51 = arith.constant 608 : i32
      %add3A_52 = arith.addi %add3A, %add3A_51 : i32
      %mul3A_53 = arith.constant 3200 : i32
      %mul3A_54 = arith.muli %add3A_52, %mul3A_53 : i32
      %dma_wait3A_55 = arith.constant 1 : i32
      %dma_wait3A_56 = arith.constant 0 : i32
      %dma_wait3A_57 = arith.constant 0 : i32
      %dma_wait3A_58 = tpu.memref_slice %arg5[%dma_wait3A_55, %dma_wait3A_56, %dma_wait3A_57] : memref<2x4x3200xf32, #tpu.memory_space<vmem>> -> memref<1x4x3200xf32, #tpu.memory_space<vmem>>
      %dma_wait3A_59 = tpu.memref_squeeze %dma_wait3A_58 : memref<1x4x3200xf32, #tpu.memory_space<vmem>> -> memref<4x3200xf32, #tpu.memory_space<vmem>>
      %dma_wait3A_60 = arith.constant 0 : i32
      %dma_wait3A_61 = tpu.memref_slice %arg3[%dma_wait3A_60, %mul3A_54] : memref<4x2000000xf32, #tpu.memory_space<hbm>> -> memref<4x3200xf32, #tpu.memory_space<hbm>>
      %dma_wait3A_62 = arith.constant 0 : i32
      %dma_wait3A_63 = tpu.memref_slice %arg3[%dma_wait3A_62, %mul3A_54] : memref<4x2000000xf32, #tpu.memory_space<hbm>> -> memref<4x3200xf32, #tpu.memory_space<hbm>>
      %dma_wait3A_64 = arith.constant 0 : i32
      %dma_wait3A_65 = arith.constant 0 : i32
      %dma_wait3A_66 = tpu.memref_slice %arg5[%dma_wait3A_55, %dma_wait3A_64, %dma_wait3A_65] : memref<2x4x3200xf32, #tpu.memory_space<vmem>> -> memref<1x4x3200xf32, #tpu.memory_space<vmem>>
      %dma_wait3A_67 = tpu.memref_squeeze %dma_wait3A_66 : memref<1x4x3200xf32, #tpu.memory_space<vmem>> -> memref<4x3200xf32, #tpu.memory_space<vmem>>
      tpu.wait_dma2 semaphore(%arg9 : memref<!tpu.dma_semaphore, #tpu.memory_space<semaphore_mem>>) src(%dma_wait3A_67 : memref<4x3200xf32, #tpu.memory_space<vmem>>) dst(%dma_wait3A_63 : memref<4x3200xf32, #tpu.memory_space<hbm>>)
    } else {
    }
    return
  }
}

</mosaic_0001>

<sc_bundles>
// kernel: kernel.3.cloned.1.call-start
scs
__scs_entry_jumppad:
0x0: {  	(pc) =	sbr.rel $0x88, $3  }
0x1: {  	(tag) =	ssettag $0x0;
	lr =	simm.s32 $0x1  }
0x2: {  	[smem:$0x3FA0] =	sst lr;
	_ =	strace $0xD0000000  }
0x3: {  	_ = 	snop  }
0x4: {  	_ = 	snop  }
0x5: {  	_ = 	snop  }
0x6: {  	_ = 	snop  }
0x7: {  	_ = 	snop  }
__scs_overlays_trampoline_lowered:
0x8: {  	[smem:$0x3FAF] =	sst s0  }
0x9: {  	[smem:$0x3FB0] =	sst s1  }
0xa: {  	[smem:$0x3FB1] =	sst s2  }
0xb: {  	[smem:$0x3FB2] =	sst s3  }
0xc: {  	[smem:$0x3FB3] =	sst s4  }
0xd: {  	[smem:$0x3FB4] =	sst s5  }
0xe: {  	[smem:$0x3FB5] =	sst s6  }
0xf: {  	[smem:$0x3FB6] =	sst s7  }
0x10: {  	[smem:$0x3FB7] =	sst s8  }
0x11: {  	[smem:$0x3FB8] =	sst s9;
	s0 =	simm.s32 @!p0 $0x0  }
0x12: {  	s1 =	sld [smem:$0x3F9E];
	s0 =	simm.s32 @p0 $0x1  }
0x13: {  	[smem:$0x3FB9] =	sst s0;
	s0 =	simm.s32 @!p1 $0x0  }
0x14: {  	s2 =	sld [smem:$0x3F9D];
	s0 =	simm.s32 @p1 $0x1  }
0x15: {  	[smem:$0x3FBA] =	sst s0;
	s0 =	simm.s32 @!p2 $0x0  }
0x16: {  	s3 =	sld [smem:$0x3FDB];
	s0 =	simm.s32 @p2 $0x1  }
0x17: {  	s4 =	simm.s32 $0x1BF5;
	[smem:$0x3FBC] =	sst s0  }
0x18: {  	s0 =	sld [smem:$0x3F9F];
	_ =	swait.ge [sflag:s4], $0x0  }
0x19: {  	s7 =	sld [smem:$0x3FA0]  }
0x1a: {  	s8 =	sadd.s32 $0xFFFFE003, lr  }
0x1b: {  	s9 =	sadd.s32 $0xFFFFFEF7, lr;
	s5 =	simm.s32 $0xFFFFFFFF;
	p2 =	slt.u32 s8, $0xFFFFF086  }
0x1c: {  	p1 =	slt.u32 s9, $0xF7A;
	s5 =	simm.s32 @!p2 $0x0  }
0x1d: {  	s5 =	simm.s32 @p1 $0x1;
	p0 =	seq.s32 s7, s2  }
0x1e: {  	s7 =	smul.u32 @!p0 $0xF7A, s2;
	p2 =	seq.s32 @!p0 s5, $0x0  }
0x1f: {  	s9 =	smul.u32 $0xF7A, s1;
	s8 =	simm.s32 @!p0 $0x1BF5;
	p2 =	por !p2, p0  }
0x20: {  	[sflag:s8] =	ssyncset.s32 @!p0 $0xFFFFF086;
	s6 =	sadd.s32 @!p0 s3, s7;
	s7 =	simm.s32 @!p0 $0x108  }
0x21: {  	s3 =	sadd.s32 s3, s9;
	s6 =	sadd.s32 @!p0 $0x88, s6;
	s7 =	simm.s32 @p2 $0x1082  }
0x22: {  	[simem:s7], [sflag:s8] =	dma.local @!p0 [hbm:s6], $0xF7A  }
0x23: {  	s9 =	sor.u32 $0xD0000000, s2;
	s6 =	simm.s32 $0x108;
	_ =	swait.ge @!p0 [sflag:s8], $0x0  }
0x24: {  	s3 =	sadd.s32 $0x88, s3;
	s6 =	simm.s32 @!p1 $0x1082;
	[sflag:s4] =	ssyncset.s32 $0xFFFFF086  }
0x25: {  	[simem:s6], [sflag:s4] =	dma.local [hbm:s3], $0xF7A  }
0x26: {  	[smem:$0x3FA0] =	sst s1;
	(tag) =	ssettag s2;
	_ =	strace s9  }
0x27: {  	s1 =	sld [smem:$0x3FB0]  }
0x28: {  	s2 =	sld [smem:$0x3FB1]  }
0x29: {  	s4 =	sld [smem:$0x3FB3]  }
0x2a: {  	p0 =	seq.s32 s5, $0x0;
	s5 =	sld [smem:$0x3FB4]  }
0x2b: {  	s6 =	sld [smem:$0x3FB5]  }
0x2c: {  	s7 =	sld [smem:$0x3FB6]  }
0x2d: {  	s3 =	simm.s32 $0x108;
	s8 =	sld [smem:$0x3FB7]  }
0x2e: {  	s3 =	simm.s32 @!p0 $0x1082;
	s9 =	sld [smem:$0x3FB8]  }
0x2f: {  	lr =	sadd.s32 s0, s3;
	s0 =	sld [smem:$0x3FAF]  }
0x30: {  	s3 =	sld [smem:$0x3FB2]  }
0x31: {  	[smem:$0x3FBB] =	sst s10  }
0x32: {  	s10 =	sld [smem:$0x3FB9];
	_ =	sdelay $0x3  }
0x33: {  	p0 =	seq.s32 s10, $0x1;
	s10 =	sld [smem:$0x3FBB];
	_ =	sdelay $0x3  }
0x34: {  	[smem:$0x3FBB] =	sst s10  }
0x35: {  	s10 =	sld [smem:$0x3FBA];
	_ =	sdelay $0x3  }
0x36: {  	p1 =	seq.s32 s10, $0x1;
	s10 =	sld [smem:$0x3FBB];
	_ =	sdelay $0x3  }
0x37: {  	[smem:$0x3FBB] =	sst s10  }
0x38: {  	s10 =	sld [smem:$0x3FBC]  }
0x39: {  	_ = 	snop;
	(pc) =	sbr.ind lr, $3  }
0x3a: {  	_ = 	snop  }
0x3b: {  	_ = 	snop  }
0x3c: {  	p2 =	seq.s32 s10, $0x1;
	s10 =	sld [smem:$0x3FBB]  }
0x3d: {  	_ =	shalt  }
0x3e: {  	_ =	shalt  }
0x3f: {  	_ =	shalt  }
0x40: {  	_ =	shalt  }
0x41: {  	_ =	shalt  }
0x42: {  	_ =	shalt  }
0x43: {  	_ =	shalt  }
0x44: {  	_ =	shalt  }
0x45: {  	_ =	shalt  }
0x46: {  	_ =	shalt  }
0x47: {  	_ =	shalt  }
0x48: {  	_ =	shalt  }
0x49: {  	_ =	shalt  }
0x4a: {  	_ =	shalt  }
0x4b: {  	_ =	shalt  }
0x4c: {  	_ =	shalt  }
0x4d: {  	_ =	shalt  }
0x4e: {  	_ =	shalt  }
0x4f: {  	_ =	shalt  }
0x50: {  	_ =	shalt  }
0x51: {  	_ =	shalt  }
0x52: {  	_ =	shalt  }
0x53: {  	_ =	shalt  }
0x54: {  	_ =	shalt  }
0x55: {  	_ =	shalt  }
0x56: {  	_ =	shalt  }
0x57: {  	_ =	shalt  }
0x58: {  	_ =	shalt  }
0x59: {  	_ =	shalt  }
0x5a: {  	_ =	shalt  }
0x5b: {  	_ =	shalt  }
0x5c: {  	_ =	shalt  }
0x5d: {  	_ =	shalt  }
0x5e: {  	_ =	shalt  }
0x5f: {  	_ =	shalt  }
0x60: {  	_ =	shalt  }
0x61: {  	_ =	shalt  }
0x62: {  	_ =	shalt  }
0x63: {  	_ =	shalt  }
0x64: {  	_ =	shalt  }
0x65: {  	_ =	shalt  }
0x66: {  	_ =	shalt  }
0x67: {  	_ =	shalt  }
0x68: {  	_ =	shalt  }
0x69: {  	_ =	shalt  }
0x6a: {  	_ =	shalt  }
0x6b: {  	_ =	shalt  }
0x6c: {  	_ =	shalt  }
0x6d: {  	_ =	shalt  }
0x6e: {  	_ =	shalt  }
0x6f: {  	_ =	shalt  }
0x70: {  	_ =	shalt  }
0x71: {  	_ =	shalt  }
0x72: {  	_ =	shalt  }
0x73: {  	_ =	shalt  }
0x74: {  	_ =	shalt  }
0x75: {  	_ =	shalt  }
0x76: {  	_ =	shalt  }
0x77: {  	_ =	shalt  }
0x78: {  	_ =	shalt  }
0x79: {  	_ =	shalt  }
0x7a: {  	_ =	shalt  }
0x7b: {  	_ =	shalt  }
0x7c: {  	_ =	shalt  }
0x7d: {  	_ =	shalt  }
0x7e: {  	_ =	shalt  }
0x7f: {  	_ =	shalt  }
0x80: {  	_ =	shalt  }
0x81: {  	_ =	shalt  }
0x82: {  	_ =	shalt  }
0x83: {  	_ =	shalt  }
0x84: {  	_ =	shalt  }
0x85: {  	_ =	shalt  }
0x86: {  	_ =	shalt  }
0x87: {  	_ =	shalt  }
.Lfunc_end0:
.L_simem_size_0:
called_computation_lowered:
.L_overlay_start_0:
0x88: {  	s2 =	sld [smem:$0x3FD9]  }
0x89: {  	s3 =	sld [smem:$0x3FFE];
	_ =	sdelay $0x1  }
0x8a: {  	s1 =	srdreg.scid  }
0x8b: {  	s0 =	sand.u32 $0x1, s1  }
0x8c: {  	s18 =	sshll.u32 s0, $0xA;
	s2 =	sadd.s32 s3, s2  }
0x8d: {  	s2 =	sadd.s32 s2, s18  }
0x8e: {  	[smem:$0x3FC7] =	sst s2  }
0x8f: {  	_ = 	snop  }
0x90: {  	s2 =	sld [smem:$0x3FC9]  }
0x91: {  	s19 =	sld [smem:$0x3FD0];
	(tm) =	ssettm $0x1  }
0x92: {  	s4 =	sld [smem:$0x3FFB];
	_ =	sdelay $0x3  }
0x93: {  	_ =	strace s4  }
0x94: {  	s4 =	sld [smem:$0x3FFC];
	_ =	sdelay $0x3  }
0x95: {  	_ =	strace s4  }
0x96: {  	s4 =	sld [smem:$0x3FFD];
	_ =	sdelay $0x3  }
0x97: {  	_ =	strace s4  }
0x98: {  	_ =	strace $0x8FFFFFFF  }
0x99: {  	s20 =	sld [smem:$0x3FDB];
	_ =	sdelay $0x1  }
0x9a: {  	s5 =	simm.s32 $_scs_section_size  }
0x9b: {  	s6 =	simm.s32 $_size__tile_overlayer_lowered;
	s7 =	simm.s32 $_tile_overlayer_lowered  }
0x9c: {  	s23 =	simm.s32 $0x1BFF;
	s22 =	sshll.u32 s7, $0x1;
	s4 =	sadd.s32 s5, s20  }
0x9d: {  	s8 =	simm.s32 $0x0;
	s21 =	sshll.u32 s6, $0x1;
	s6 =	sadd.s32 s22, s4  }
0x9e: {  	[timem:s8], [sflag:s23] =	dma.local [hbm:s6], s21  }
0x9f: {  	_ =	swait.ge [sflag:s23], s21  }
0xa0: {  	s5 =	ssub.s32 $0x0, s21;
	[sflag:s23] =	ssyncset.done $0x0  }
0xa1: {  	[sflag:s23] =	ssyncadd.s32 s5;
	_ =	sdelay $0x1  }
0xa2: {  	s24 =	simm.s32 $0x1B8B  }
0xa3: {  	_ =	swait.ge [sflag:s24], $0x1  }
0xa4: {  	[sflag:s24] =	ssyncset.done $0x0  }
0xa5: {  	s25 =	simm.s32 $0x1B8E;
	[sflag:s24] =	ssyncadd.s32 $0xFFFFFFFF  }
0xa6: {  	s26 =	simm.s32 $execute0_lowered;
	[smem:$0x3FD2] =	sst s25  }
0xa7: {  	s5 =	sshll.u32 s26, $0x1;
	_ =	strace $0x80000046;
	[dreg:$0x1] =	wrdreg $0xFFFFFFFF  }
0xa8: {  	s28 =	simm.s32 $_size_execute0_lowered;
	s4 =	sadd.s32 s4, s5;
	[dreg:$0x0] =	wrdreg $0x0  }
0xa9: {  	s5 =	sshll.u32 s28, $0x1;
	[dreg:$0x2] =	wrdreg s4  }
0xaa: {  	[dreg:$0x3] =	wrdreg s5  }
0xab: {  	[dreg:$0x4] =	wrdreg $0xC0  }
0xac: {  	_ =	task [dreg:s8], $0x5FFFF  }
0xad: {  	[dreg:$0x1] =	wrdreg $0xFFFFFFFF  }
0xae: {  	[dreg:$0x0] =	wrdreg $0x60  }
0xaf: {  	[dreg:$0x2] =	wrdreg s2  }
0xb0: {  	[dreg:$0x3] =	wrdreg s19  }
0xb1: {  	[dreg:$0x4] =	wrdreg $0x9  }
0xb2: {  	_ =	task.clear_ibuf [dreg:s8], $0x5FFFF;
	_ =	strace $0x90000046  }
0xb3: {  	s29 =	simm.s32 $0x9;
	_ =	strace $0x80000048  }
0xb4: {  	_ =	swait.ge [sflag:s29], $0x1  }
0xb5: {  	[sflag:s29] =	ssyncadd.s32 $0xFFFFFFFF  }
0xb6: {  	_ =	strace $0x90000048  }
0xb7: {  	_ =	sfence  }
0xb8: {  	s30 =	sld [smem:$0x0];
	_ =	sdelay $0x2  }
0xb9: {  	s31 =	sshll.u32 s1, $0xD;
	s1 =	sshrl.u32 s1, $0x2  }
0xba: {  	s3 =	sand.u32 $0x4000, s31;
	s1 =	sadd.s32 s1, s30  }
0xbb: {  	s0 =	sor.u32 s3, s0;
	s1 =	sshll.u32 s1, $0x11  }
0xbc: {  	s0 =	sor.u32 s1, s0  }
0xbd: {  	s0 =	sadd.s32 $0x8F2B, s0  }
0xbe: {  	[sflag:s0] =	ssyncadd.remote.s32 $0x1  }
0xbf: {  	_ =	sfence.sel $0xFFFF  }
0xc0: {  	[dreg:$0x0] =	wrdreg $0xFFFFFFFF;
	(pc) =	sbr.abs _section_cstart, $3  }
0xc1: {  	[dreg:$0x1] =	wrdreg $0xFFFFFFFF  }
0xc2: {  	_ =	task.clear_ibuf [dreg:s8], $0x2FFFF;
	_ =	strace $0x9FFFFFFF  }
0xc3: {  	(tm) =	ssettm $0x7FFFFFFF  }
tec
execute0_lowered:
.L_overlay_start_1:
0x0: {  	(tag) =	ssettag $0x1  }
0x1: {  	s0 =	srdreg.scid;
	s1 =	stileid.u32  }
0x2: {  	s4 =	rddreg [dreg:$0x0];
	s0 =	sand.u32 $0x1, s0;
	s1 =	sshll.u32 s1, $0x1  }
0x3: {  	s11 =	rddreg [dreg:$0x1];
	s5 =	simm.s32 $0x0;
	s9 =	sor.u32 s0, s1  }
0x4: {  	[smem:$0x7FF] =	sst s5;
	s0 =	ssub.s32 $0x2, s0;
	s1 =	smul.u32 $0xC80, s9  }
0x5: {  	_ =	strace $0x80000047;
	s2 =	smul.u32 $0x190, s9;
	s3 =	sshrl.u32 s0, $0x1  }
.Ltmp0:
0x6: {  	s30 =	sor.u32 $0x40, s9;
	[dreg:$0x3] =	wrdreg s9;
	(pc) =	sbr.rel .LBB2_1-.Ltmp0, $4  }
0x7: {  	s31 =	sor.u32 $0x60, s9;
	p0 =	sgt.u32 s9, $0x10;
	[dreg:$0x4] =	wrdreg s30  }
0x8: {  	s0 =	ssub.s32 s0, s3;
	[dreg:$0x5] =	wrdreg s31;
	s1 =	sshrl.u32 s1, $0x3  }
0x9: {  	s6 =	sadd.s32 s4, s2;
	s0 =	smax.u32 s0, $0x1;
	s1 =	sadd.s32 s4, s1  }
0xa: {  	v0 =	vimm.f32 $0.0e+00;
	s2 =	simm.s32 $0x0;
	[dreg:$0x6] =	wrdreg s0;
	s7 =	sadd.s32 $0x3200, s1  }
.LBB2_19:
0xb: {  	s0 =	simm.s32 $0x3  }
0xc: {  	_ =	swait.ge [sflag:s0], $0x3200  }
0xd: {  	[sflag:s0] =	ssyncset.done $0x0  }
0xe: {  	[sflag:s0] =	ssyncadd.s32 $0xFFFFCE00;
	s0 =	simm.s32 @!p0 $0x4  }
0xf: {  	_ =	swait.ge @!p0 [sflag:s0], $0x3200  }
0x10: {  	s2 =	rddreg [dreg:$0x7]  }
0x11: {  	s1 =	rddreg [dreg:$0x6];
	s2 =	sadd.s32 $0x1, s2  }
0x12: {  	p1 =	sne.s32 s2, s1  }
.Ltmp1:
0x13: {  	_ = 	snop;
	(pc) =	sbr.rel @!p1 .LBB2_20-.Ltmp1, $3  }
0x14: {  	_ =	sdelay $0x1  }
0x15: {  	[sflag:s0] =	ssyncset.done @!p0 $0x0  }
0x16: {  	[sflag:s0] =	ssyncadd.s32 @!p0 $0xFFFFCE00  }
.LBB2_1:
0x17: {  	[dreg:$0x7] =	wrdreg s2;
	s0 =	simm.s32 $0x10  }
0x18: {  	s3 =	sadd.s32 $0x0, s6;
	s1 =	simm.s32 $0x100;
	s2 =	simm.s32 $0x0  }
.LBB2_2:
0x19: {  	[tilespmem:s2], [sflag:$0x1] =	stream.linear.gather [hbm4b:s3+s5], $0x80, $0x38;
	[tilespmem:$0x7D00] =	vst v63  }
0x1a: {  	s3 =	smov.u32 s0;
	s2 =	smov.u32 s1;
	p1 =	sne.s32 s0, $0x180  }
.Ltmp2:
0x1b: {  	s0 =	sadd.s32 $0x10, s0;
	(pc) =	sbr.rel @p1 .LBB2_2-.Ltmp2, $2  }
0x1c: {  	_ =	sdelay $0x2  }
0x1d: {  	s1 =	sadd.s32 $0x100, s1;
	s3 =	sadd.s32 s3, s6  }
0x1e: {  	[tilespmem:s2], [sflag:$0x1] =	stream.linear.gather [hbm4b:s3+s5], $0x80, $0x38;
	[tilespmem:$0x7D00] =	vst v63  }
0x1f: {  	s15 =	simm.s32 $0x0;
	s0 =	simm.s32 $0x80  }
0x20: {  	s1 =	simm.s32 $0x10;
	s3 =	sadd.s32 $0x0, s7;
	s2 =	simm.s32 $0x180  }
.LBB2_4:
0x21: {  	[tilespmem:s0], [sflag:$0x2] =	stream.linear.gather [hbm4b:s3+s15], $0x80, $0x38;
	[tilespmem:$0x7D00] =	vst v63  }
0x22: {  	s3 =	smov.u32 s1;
	s0 =	smov.u32 s2;
	p1 =	sne.s32 s1, $0x180  }
.Ltmp3:
0x23: {  	s1 =	sadd.s32 $0x10, s1;
	(pc) =	sbr.rel @p1 .LBB2_4-.Ltmp3, $2  }
0x24: {  	_ =	sdelay $0x2  }
0x25: {  	s2 =	sadd.s32 $0x100, s2;
	s3 =	sadd.s32 s3, s7  }
.Ltmp4:
0x26: {  	(pc) =	sbr.rel .LBB2_6-.Ltmp4, $2  }
0x27: {  	_ =	sdelay $0x2  }
0x28: {  	[tilespmem:s0], [sflag:$0x2] =	stream.linear.gather [hbm4b:s3+s15], $0x80, $0x38;
	[tilespmem:$0x7D00] =	vst v63  }
.LBB2_18:
0x29: {  	s15 =	sadd.s32 $0x1, s15  }
0x2a: {  	p1 =	sne.s32 s15, $0xA  }
.Ltmp5:
0x2b: {  	_ = 	snop;
	(pc) =	sbr.rel @!p1 .LBB2_19-.Ltmp5, $1  }
0x2c: {  	_ =	sdelay $0x3  }
.LBB2_6:
0x2d: {  	s0 =	simm.s32 $0x1  }
0x2e: {  	_ =	swait.ge [sflag:s0], $0xC80  }
0x2f: {  	p2 =	seq.s32 s15, $0x0;
	[sflag:s0] =	ssyncset.done $0x0  }
0x30: {  	s1 =	simm.s32 $0x0;
	[sflag:s0] =	ssyncadd.s32 $0xFFFFF380;
	s0 =	simm.s32 @!p2 $0x3  }
0x31: {  	s2 =	simm.s32 $0x0;
	s1 =	sand.u32 $0x40, s1;
	_ =	swait.ge @!p2 [sflag:s0], $0x3200  }
0x32: {  	s2 =	sand.u32 $0x3FFFFF00, s2;
	s3 =	sor.u32 $0x30, s1;
	[sflag:s0] =	ssyncset.done @!p2 $0x0  }
0x33: {  	s8 =	sor.u32 s3, s2;
	[sflag:s0] =	ssyncadd.s32 @!p2 $0xFFFFCE00  }
0x34: {  	s10 =	sor.u32 s1, s2;
	s12 =	sor.u32 $0x10, s1;
	v2 =	vld [tilespmem:s8+$0x0]  }
0x35: {  	s21 =	sor.u32 s12, s2;
	v1 =	vld [tilespmem:s10+$0x0]  }
0x36: {  	v3 =	vld [tilespmem:s21+$0x0]  }
0x37: {  	s9 =	sor.u32 $0x20, s1  }
0x38: {  	s2 =	sor.u32 s9, s2  }
0x39: {  	v4 =	vld [tilespmem:s2+$0x0];
	vm2 =	veq.s32 v2, $0x4  }
0x3a: {  	s17 =	simm.s32 $0x40;
	vm0 =	veq.s32 v2, $0x0;
	vm1 =	veq.s32 v2, $0x1;
	vm3 =	veq.s32 v1, $0x4  }
0x3b: {  	s22 =	simm.s32 $0x0;
	s25 =	simm.s32 $0x80;
	s24 =	sand.u32 $0x40, s17;
	vm4 =	veq.s32 v1, $0x1;
	vm5 =	veq.s32 v1, $0x2;
	vm6 =	veq.s32 v3, $0x0  }
0x3c: {  	s20 =	sor.u32 $0x10, s24;
	s2 =	sand.u32 $0x3FFFFE00, s22;
	s10 =	sand.u32 $0x3FFFFF00, s25;
	vm7 =	veq.s32 v3, $0x1;
	v6 =	vsel vm2, $0x3E800000, v0;
	vm2 =	veq.s32 v2, $0x3  }
0x3d: {  	s2 =	sadd.s32 $0x1900, s2;
	s18 =	sor.u32 s20, s10;
	v5 =	vsel vm3, $0x3E800000, v0;
	vm3 =	veq.s32 v3, $0x4;
	v7 =	vsel vm2, $0x3F800000, v6  }
0x3e: {  	s19 =	sor.u32 s3, s2;
	v12 =	vld [tilespmem:s18+$0x0];
	vm2 =	veq.s32 v1, $0x0;
	v8 =	vsel vm3, $0x3E800000, v0;
	vm3 =	veq.s32 v4, $0x4  }
0x3f: {  	s23 =	sor.u32 s1, s2;
	v9 =	vsel vm3, $0x3E800000, v0;
	vm3 =	veq.s32 v1, $0x3;
	[tilespmem:s19+$0x180] =	vst v7;
	v1 =	vsel vm2, $0x3F800000, v5  }
0x40: {  	vm8 =	veq.s32 v3, $0x3;
	vm2 =	veq.s32 v3, $0x2;
	v3 =	vsel vm4, $0x3F800000, v5;
	[tilespmem:s23+$0x0] =	vst v1  }
0x41: {  	s13 =	sor.u32 $0x30, s24;
	s16 =	sor.u32 s24, s10;
	vm9 =	veq.s32 v4, $0x1;
	vm10 =	veq.s32 v4, $0x3;
	v7 =	vsel vm5, $0x3F800000, v5;
	[tilespmem:s23+$0x80] =	vst v3  }
0x42: {  	s14 =	sor.u32 s13, s10;
	s12 =	sor.u32 s12, s2;
	v10 =	vld [tilespmem:s16+$0x0];
	vm4 =	veq.s32 v4, $0x0;
	vm5 =	veq.s32 v4, $0x2;
	v4 =	vsel vm7, $0x3F800000, v8;
	[tilespmem:s23+$0x100] =	vst v7  }
0x43: {  	v15 =	vsel vm0, $0x3F800000, v6;
	vm7 =	veq.s32 v12, $0x0;
	v3 =	vsel vm3, $0x3F800000, v5;
	v1 =	vld [tilespmem:s14+$0x0];
	[tilespmem:s12+$0x80] =	vst v4  }
0x44: {  	vm3 =	veq.s32 v2, $0x2;
	v2 =	vsel vm6, $0x3F800000, v8;
	v7 =	vsel vm2, $0x3F800000, v8;
	[tilespmem:s23+$0x180] =	vst v3  }
0x45: {  	s26 =	sor.u32 $0x20, s24;
	v8 =	vsel vm8, $0x3F800000, v8;
	v11 =	vsel vm4, $0x3F800000, v9;
	v13 =	vsel vm9, $0x3F800000, v9;
	[tilespmem:s12+$0x0] =	vst v2  }
0x46: {  	s28 =	sor.u32 s26, s10;
	v14 =	vsel vm5, $0x3F800000, v9;
	v9 =	vsel vm10, $0x3F800000, v9;
	v5 =	vsel vm1, $0x3F800000, v6;
	[tilespmem:s12+$0x100] =	vst v7  }
0x47: {  	s29 =	simm.s32 $0x100;
	s0 =	sor.u32 s9, s2;
	vm4 =	veq.s32 v10, $0x0;
	vm10 =	veq.s32 v10, $0x1;
	vm5 =	veq.s32 v10, $0x2;
	v3 =	vld [tilespmem:s28+$0x0];
	[tilespmem:s12+$0x180] =	vst v8  }
0x48: {  	s30 =	sand.u32 $0x3FFFFE00, s29;
	vm9 =	veq.s32 v10, $0x3;
	v4 =	vsel vm3, $0x3F800000, v6;
	[tilespmem:s0+$0x0] =	vst v11;
	vm2 =	veq.s32 v1, $0x4  }
0x49: {  	s2 =	sadd.s32 $0x1900, s30;
	vm3 =	veq.s32 v10, $0x4;
	[tilespmem:s0+$0x80] =	vst v13;
	v2 =	vsel vm2, $0x3E800000, v0;
	vm2 =	veq.s32 v1, $0x3  }
0x4a: {  	s21 =	sor.u32 s13, s2;
	[tilespmem:s0+$0x100] =	vst v14;
	v8 =	vsel vm3, $0x3E800000, v0;
	vm3 =	veq.s32 v12, $0x4;
	v6 =	vsel vm2, $0x3F800000, v2  }
0x4b: {  	vm8 =	veq.s32 v12, $0x2;
	vm6 =	veq.s32 v12, $0x3;
	v7 =	vsel vm3, $0x3E800000, v0;
	[tilespmem:s21+$0x180] =	vst v6  }
0x4c: {  	s16 =	sshll.u32 s15, $0x6;
	s22 =	sor.u32 s20, s2;
	vm3 =	veq.s32 v12, $0x1;
	vm1 =	veq.s32 v1, $0x0;
	vm2 =	veq.s32 v3, $0x4;
	s31 =	rddreg [dreg:$0x3];
	[tilespmem:s0+$0x180] =	vst v9  }
0x4d: {  	s20 =	sor.u32 s26, s2;
	vm0 =	veq.s32 v1, $0x1;
	v6 =	vsel vm2, $0x3E800000, v0;
	vm2 =	veq.s32 v3, $0x0;
	s0 =	sor.u32 s24, s2;
	[tilespmem:s19+$0x0] =	vst v15;
	s18 =	sor.u32 s31, s16  }
.LBB2_7:
0x4e: {  	s17 =	sadd.s32 $0x40, s17;
	vm12 =	veq.s32 v3, $0x1;
	vm13 =	veq.s32 v3, $0x2;
	vm11 =	veq.s32 v3, $0x3;
	[tilespmem:s19+$0x80] =	vst v5  }
0x4f: {  	v3 =	vsel vm4, $0x3F800000, v8;
	v5 =	vsel vm10, $0x3F800000, v8;
	vm4 =	veq.s32 v1, $0x2;
	s1 =	sand.u32 $0x40, s17;
	s2 =	sshll.u32 s17, $0x1;
	p1 =	slt.u32 s17, $0xC40;
	[tilespmem:s19+$0x100] =	vst v4  }
0x50: {  	v4 =	vsel vm9, $0x3F800000, v8;
	s2 =	sand.u32 $0x3FFFFF00, s2;
	s3 =	sor.u32 $0x10, s1;
	s10 =	sor.u32 $0x30, s1;
	[tilespmem:s0+$0x0] =	vst v3;
	v3 =	vsel vm5, $0x3F800000, v8;
	v8 =	vsel vm7, $0x3F800000, v7  }
0x51: {  	v9 =	vsel vm3, $0x3F800000, v7;
	v10 =	vsel vm8, $0x3F800000, v7;
	s13 =	sor.u32 $0x20, s1;
	v7 =	vsel vm6, $0x3F800000, v7;
	s12 =	sor.u32 s1, s2;
	s14 =	sor.u32 s10, s2;
	[tilespmem:s0+$0x80] =	vst v5  }
0x52: {  	v11 =	vsel vm2, $0x3F800000, v6;
	v12 =	vsel vm12, $0x3F800000, v6;
	v13 =	vsel vm13, $0x3F800000, v6;
	s19 =	smov.u32 s21;
	s23 =	sor.u32 s3, s2;
	s2 =	sor.u32 s13, s2;
	v1 =	vld [tilespmem:s14+$0x0];
	[tilespmem:s0+$0x100] =	vst v3  }
0x53: {  	v16 =	vsel vm1, $0x3F800000, v2;
	v15 =	vsel vm11, $0x3F800000, v6;
	v5 =	vsel vm0, $0x3F800000, v2;
	v14 =	vld [tilespmem:s12+$0x0];
	[tilespmem:s0+$0x180] =	vst v4  }
0x54: {  	v4 =	vsel vm4, $0x3F800000, v2;
	v17 =	vld [tilespmem:s23+$0x0];
	[tilespmem:s22+$0x0] =	vst v8  }
0x55: {  	s0 =	sshll.u32 s17, $0x2;
	v3 =	vld [tilespmem:s2+$0x0];
	[tilespmem:s22+$0x80] =	vst v9  }
0x56: {  	s0 =	sand.u32 $0x3FFFFE00, s0;
	[tilespmem:s22+$0x100] =	vst v10  }
0x57: {  	s2 =	sadd.s32 $0x1900, s0;
	vm2 =	veq.s32 v1, $0x4;
	vm1 =	veq.s32 v1, $0x0;
	vm0 =	veq.s32 v1, $0x1;
	[tilespmem:s22+$0x180] =	vst v7  }
0x58: {  	s0 =	sor.u32 s1, s2;
	vm3 =	veq.s32 v14, $0x4;
	v2 =	vsel vm2, $0x3E800000, v0;
	vm2 =	veq.s32 v1, $0x3;
	[tilespmem:s20+$0x0] =	vst v11  }
.Ltmp6:
0x59: {  	s21 =	sor.u32 s10, s2;
	s22 =	sor.u32 s3, s2;
	v8 =	vsel vm3, $0x3E800000, v0;
	vm3 =	veq.s32 v17, $0x4;
	v6 =	vsel vm2, $0x3F800000, v2;
	[tilespmem:s20+$0x80] =	vst v12;
	(pc) =	sbr.rel @p1 .LBB2_7-.Ltmp6, $4  }
0x5a: {  	s1 =	sor.u32 s13, s2;
	vm4 =	veq.s32 v14, $0x0;
	v7 =	vsel vm3, $0x3E800000, v0;
	vm2 =	veq.s32 v3, $0x4;
	[tilespmem:s21+$0x180] =	vst v6  }
0x5b: {  	vm10 =	veq.s32 v14, $0x1;
	vm5 =	veq.s32 v14, $0x2;
	v6 =	vsel vm2, $0x3E800000, v0;
	[tilespmem:s20+$0x100] =	vst v13  }
0x5c: {  	vm9 =	veq.s32 v14, $0x3;
	vm7 =	veq.s32 v17, $0x0;
	vm3 =	veq.s32 v17, $0x1;
	[tilespmem:s20+$0x180] =	vst v15;
	s20 =	smov.u32 s1  }
0x5d: {  	vm8 =	veq.s32 v17, $0x2;
	vm6 =	veq.s32 v17, $0x3;
	vm2 =	veq.s32 v3, $0x0;
	[tilespmem:s19+$0x0] =	vst v16  }
0x5e: {  	[tilespmem:s19+$0x80] =	vst v5  }
0x5f: {  	v53 =	vsel vm4, $0x3F800000, v8;
	[tilespmem:s19+$0x100] =	vst v4  }
0x60: {  	v54 =	vsel vm10, $0x3F800000, v8;
	[tilespmem:s0+$0x0] =	vst v53  }
0x61: {  	v55 =	vsel vm5, $0x3F800000, v8;
	[tilespmem:s0+$0x80] =	vst v54  }
0x62: {  	v56 =	vsel vm9, $0x3F800000, v8;
	[tilespmem:s0+$0x100] =	vst v55  }
0x63: {  	v57 =	vsel vm7, $0x3F800000, v7;
	[tilespmem:s0+$0x180] =	vst v56  }
0x64: {  	v58 =	vsel vm3, $0x3F800000, v7;
	[tilespmem:s22+$0x0] =	vst v57  }
0x65: {  	v59 =	vsel vm8, $0x3F800000, v7;
	[tilespmem:s22+$0x80] =	vst v58  }
0x66: {  	v60 =	vsel vm6, $0x3F800000, v7;
	[tilespmem:s22+$0x100] =	vst v59  }
0x67: {  	v61 =	vsel vm2, $0x3F800000, v6;
	[tilespmem:s22+$0x180] =	vst v60  }
0x68: {  	vm12 =	veq.s32 v3, $0x1;
	vm15 =	veq.s32 v1, $0x2;
	v1 =	vsel vm0, $0x3F800000, v2;
	[tilespmem:s20+$0x0] =	vst v61  }
0x69: {  	vm13 =	veq.s32 v3, $0x2;
	v62 =	vsel vm12, $0x3F800000, v6;
	[tilespmem:s21+$0x80] =	vst v1  }
0x6a: {  	vm14 =	veq.s32 v3, $0x3;
	v3 =	vsel vm13, $0x3F800000, v6;
	[tilespmem:s20+$0x80] =	vst v62  }
0x6b: {  	v63 =	vsel vm14, $0x3F800000, v6;
	[tilespmem:s20+$0x100] =	vst v3  }
0x6c: {  	s30 =	smul.u32 $0x640, s18;
	v3 =	vsel vm1, $0x3F800000, v2;
	[tilespmem:s20+$0x180] =	vst v63  }
0x6d: {  	v2 =	vsel vm15, $0x3F800000, v2;
	[tilespmem:s21+$0x0] =	vst v3  }
0x6e: {  	s1 =	simm.s32 $0x1900;
	s0 =	sadd.s32 s11, s30;
	[tilespmem:s21+$0x100] =	vst v2  }
0x6f: {  	[hbm4b:s0+s5] =	stream.linear.scatter [tilespmem:s1], [sflag:$0x3], $0x3200, $0x38;
	[tilespmem:$0x7D00] =	vst v63  }
0x70: {  	s31 =	rddreg [dreg:$0x4]  }
0x71: {  	s0 =	sadd.s32 s31, s16  }
0x72: {  	p1 =	sgt.u32 s0, $0x270  }
.Ltmp7:
0x73: {  	_ = 	snop;
	(pc) =	sbr.rel @p1 .LBB2_12-.Ltmp7, $1  }
0x74: {  	_ =	sdelay $0x3  }
0x75: {  	s0 =	smul.u32 $0x190, s0  }
0x76: {  	s1 =	rddreg [dreg:$0x0]  }
0x77: {  	s2 =	simm.s32 $0x10;
	s0 =	sadd.s32 s1, s0  }
0x78: {  	s3 =	simm.s32 $0x100;
	s1 =	simm.s32 $0x0;
	s10 =	sadd.s32 $0x0, s0  }
.LBB2_10:
0x79: {  	[tilespmem:s1], [sflag:$0x1] =	stream.linear.gather [hbm4b:s10+s5], $0x80, $0x38;
	[tilespmem:$0x7D00] =	vst v63  }
0x7a: {  	s10 =	smov.u32 s2;
	s1 =	smov.u32 s3;
	p1 =	sne.s32 s2, $0x180  }
.Ltmp8:
0x7b: {  	s2 =	sadd.s32 $0x10, s2;
	(pc) =	sbr.rel @p1 .LBB2_10-.Ltmp8, $2  }
0x7c: {  	_ =	sdelay $0x2  }
0x7d: {  	s3 =	sadd.s32 $0x100, s3;
	s10 =	sadd.s32 s10, s0  }
0x7e: {  	[tilespmem:s1], [sflag:$0x1] =	stream.linear.gather [hbm4b:s10+s5], $0x80, $0x38;
	[tilespmem:$0x7D00] =	vst v63  }
.LBB2_12:
0x7f: {  	s17 =	sor.u32 $0x20, s18  }
0x80: {  	p1 =	sgt.u32 s17, $0x270  }
0x81: {  	s0 =	simm.s32 @!p1 $0x2  }
0x82: {  	_ =	swait.ge @!p1 [sflag:s0], $0xC80  }
0x83: {  	[sflag:s0] =	ssyncset.done @!p1 $0x0  }
0x84: {  	s1 =	simm.s32 $0x0;
	[sflag:s0] =	ssyncadd.s32 @!p1 $0xFFFFF380;
	s0 =	simm.s32 @!p2 $0x4  }
0x85: {  	s14 =	simm.s32 $0x0;
	s10 =	sand.u32 $0x40, s1;
	_ =	swait.ge @!p2 [sflag:s0], $0x3200  }
0x86: {  	s1 =	sand.u32 $0x3FFFFF00, s14;
	s2 =	sor.u32 $0x30, s10;
	[sflag:s0] =	ssyncset.done @!p2 $0x0  }
0x87: {  	s18 =	sor.u32 s2, s1;
	[sflag:s0] =	ssyncadd.s32 @!p2 $0xFFFFCE00  }
0x88: {  	s3 =	sor.u32 $0x10, s10;
	s12 =	sor.u32 s10, s1;
	v1 =	vld [tilespmem:s18+$0x80]  }
0x89: {  	s13 =	sor.u32 s3, s1;
	v2 =	vld [tilespmem:s12+$0x80]  }
0x8a: {  	s0 =	sor.u32 $0x20, s10;
	v3 =	vld [tilespmem:s13+$0x80]  }
0x8b: {  	s1 =	sor.u32 s0, s1  }
0x8c: {  	v4 =	vld [tilespmem:s1+$0x80];
	_ =	sdelay $0x1  }
0x8d: {  	vm0 =	veq.s32 v1, $0x4  }
0x8e: {  	s19 =	simm.s32 $0x0;
	vm1 =	veq.s32 v2, $0x4;
	vm2 =	veq.s32 v3, $0x4;
	vm4 =	veq.s32 v3, $0x0  }
0x8f: {  	s1 =	sand.u32 $0x3FFFFE00, s19;
	vm5 =	veq.s32 v3, $0x1;
	vm6 =	veq.s32 v3, $0x3;
	v5 =	vsel vm0, $0x3E800000, v0  }
0x90: {  	s14 =	sadd.s32 $0x4B00, s1;
	vm0 =	veq.s32 v1, $0x0;
	vm3 =	veq.s32 v4, $0x4;
	v8 =	vsel vm1, $0x3E800000, v0  }
0x91: {  	s18 =	simm.s32 $0x40;
	s21 =	sadd.s32 $0x4B80, s1;
	s20 =	sor.u32 s2, s14;
	v9 =	vsel vm2, $0x3E800000, v0;
	v6 =	vsel vm0, $0x3F800000, v5;
	vm0 =	veq.s32 v1, $0x1  }
0x92: {  	s19 =	simm.s32 $0x80;
	s13 =	sadd.s32 $0x4C00, s1;
	s22 =	sor.u32 s2, s21;
	vm1 =	veq.s32 v2, $0x1;
	v7 =	vsel vm0, $0x3F800000, v5;
	vm0 =	veq.s32 v1, $0x2;
	[tilespmem:s20+$0x0] =	vst v6  }
0x93: {  	s24 =	sadd.s32 $0x4C80, s1;
	s1 =	sand.u32 $0x40, s18;
	s23 =	sor.u32 s2, s13;
	vm2 =	veq.s32 v2, $0x2;
	v6 =	vsel vm0, $0x3F800000, v5;
	vm0 =	veq.s32 v1, $0x3;
	[tilespmem:s22+$0x0] =	vst v7  }
0x94: {  	s25 =	sor.u32 s2, s24;
	s2 =	sor.u32 $0x30, s1;
	vm7 =	veq.s32 v4, $0x1;
	vm8 =	veq.s32 v4, $0x3;
	s20 =	sand.u32 $0x3FFFFF00, s19;
	v1 =	vsel vm0, $0x3F800000, v5;
	[tilespmem:s23+$0x0] =	vst v6  }
0x95: {  	s8 =	sor.u32 s3, s14;
	v10 =	vsel vm3, $0x3E800000, v0;
	s22 =	sor.u32 s2, s20;
	vm0 =	veq.s32 v2, $0x0;
	v5 =	vsel vm4, $0x3F800000, v9;
	[tilespmem:s25+$0x0] =	vst v1  }
0x96: {  	s26 =	sor.u32 s10, s14;
	s12 =	sor.u32 $0x10, s1;
	vm3 =	veq.s32 v2, $0x3;
	v2 =	vsel vm1, $0x3F800000, v8;
	v11 =	vld [tilespmem:s22+$0x80];
	v1 =	vsel vm0, $0x3F800000, v8;
	s25 =	sor.u32 s1, s20;
	[tilespmem:s8+$0x0] =	vst v5  }
0x97: {  	s23 =	sor.u32 s10, s21;
	vm1 =	veq.s32 v4, $0x0;
	vm0 =	veq.s32 v3, $0x2;
	[tilespmem:s26+$0x0] =	vst v1;
	v1 =	vsel vm2, $0x3F800000, v8;
	s26 =	sor.u32 s12, s20;
	v3 =	vld [tilespmem:s25+$0x80]  }
0x98: {  	s4 =	sor.u32 s10, s13;
	vm2 =	veq.s32 v4, $0x2;
	v4 =	vsel vm3, $0x3F800000, v8;
	s25 =	sor.u32 s3, s21;
	v8 =	vsel vm5, $0x3F800000, v9;
	[tilespmem:s23+$0x0] =	vst v2;
	v2 =	vld [tilespmem:s26+$0x80]  }
0x99: {  	s9 =	sor.u32 s3, s13;
	s19 =	sor.u32 $0x20, s1;
	s10 =	sor.u32 s10, s24;
	v6 =	vsel vm7, $0x3F800000, v10;
	[tilespmem:s25+$0x0] =	vst v8  }
0x9a: {  	s22 =	sor.u32 s0, s13;
	v7 =	vsel vm1, $0x3F800000, v10;
	s20 =	sor.u32 s19, s20;
	v12 =	vsel vm0, $0x3F800000, v9;
	v9 =	vsel vm6, $0x3F800000, v9;
	[tilespmem:s4+$0x0] =	vst v1;
	s4 =	simm.s32 $0x100  }
0x9b: {  	s3 =	sor.u32 s3, s24;
	s23 =	sor.u32 s0, s21;
	v5 =	vsel vm2, $0x3F800000, v10;
	v1 =	vld [tilespmem:s20+$0x80];
	[tilespmem:s10+$0x0] =	vst v4;
	v4 =	vsel vm8, $0x3F800000, v10;
	s8 =	sand.u32 $0x3FFFFE00, s4;
	vm0 =	veq.s32 v11, $0x4  }
0x9c: {  	s21 =	sor.u32 s0, s24;
	s20 =	sor.u32 s0, s14;
	[tilespmem:s9+$0x0] =	vst v12;
	s26 =	sadd.s32 $0x4B00, s8;
	v13 =	vsel vm0, $0x3E800000, v0;
	vm0 =	veq.s32 v11, $0x0;
	vm1 =	veq.s32 v3, $0x4  }
0x9d: {  	[tilespmem:s3+$0x0] =	vst v9;
	s30 =	sadd.s32 $0x4B80, s8;
	s0 =	sadd.s32 $0x4C00, s8;
	v8 =	vsel vm0, $0x3F800000, v13;
	s9 =	sor.u32 s2, s26;
	vm0 =	veq.s32 v11, $0x1;
	vm2 =	veq.s32 v2, $0x4  }
0x9e: {  	s24 =	sadd.s32 $0x4C80, s8;
	s25 =	sor.u32 s1, s26;
	s13 =	sor.u32 s2, s30;
	[tilespmem:s9+$0x0] =	vst v8;
	v8 =	vsel vm0, $0x3F800000, v13;
	vm0 =	veq.s32 v11, $0x2;
	v10 =	vsel vm1, $0x3E800000, v0  }
0x9f: {  	s28 =	sor.u32 s1, s30;
	s31 =	sor.u32 s1, s0;
	s14 =	sor.u32 s2, s0;
	vm1 =	veq.s32 v3, $0x1;
	[tilespmem:s13+$0x0] =	vst v8;
	v63 =	vsel vm0, $0x3F800000, v13;
	vm0 =	veq.s32 v11, $0x3  }
0xa0: {  	s10 =	sor.u32 s1, s24;
	s1 =	sor.u32 s12, s26;
	s2 =	sor.u32 s2, s24;
	vm3 =	veq.s32 v1, $0x4;
	v9 =	vsel vm2, $0x3E800000, v0;
	[tilespmem:s14+$0x0] =	vst v63;
	v11 =	vsel vm0, $0x3F800000, v13  }
0xa1: {  	s29 =	sor.u32 s12, s24;
	vm2 =	veq.s32 v3, $0x0;
	s13 =	sor.u32 s12, s0;
	v8 =	vsel vm3, $0x3E800000, v0;
	vm0 =	veq.s32 v3, $0x2;
	s14 =	sor.u32 s12, s30;
	[tilespmem:s2+$0x0] =	vst v11  }
.LBB2_13:
0xa2: {  	s18 =	sadd.s32 $0x40, s18;
	vm3 =	veq.s32 v3, $0x3;
	vm4 =	veq.s32 v2, $0x0;
	vm5 =	veq.s32 v2, $0x1;
	s30 =	sor.u32 s19, s30;
	[tilespmem:s20+$0x0] =	vst v7;
	s20 =	sor.u32 s19, s26  }
0xa3: {  	vm6 =	veq.s32 v2, $0x2;
	vm7 =	veq.s32 v2, $0x3;
	vm8 =	veq.s32 v1, $0x0;
	s0 =	sor.u32 s19, s0;
	s12 =	sand.u32 $0x40, s18;
	s2 =	sshll.u32 s18, $0x1;
	[tilespmem:s23+$0x0] =	vst v6  }
0xa4: {  	vm9 =	veq.s32 v1, $0x1;
	vm10 =	veq.s32 v1, $0x2;
	vm11 =	veq.s32 v1, $0x3;
	s23 =	sand.u32 $0x3FFFFF00, s2;
	s2 =	sor.u32 $0x10, s12;
	s3 =	sor.u32 $0x30, s12;
	[tilespmem:s22+$0x0] =	vst v5  }
0xa5: {  	v1 =	vsel vm2, $0x3F800000, v10;
	v2 =	vsel vm1, $0x3F800000, v10;
	s26 =	sor.u32 $0x20, s12;
	v5 =	vsel vm0, $0x3F800000, v10;
	s22 =	sor.u32 s12, s23;
	s4 =	sor.u32 s3, s23;
	[tilespmem:s21+$0x0] =	vst v4  }
0xa6: {  	v12 =	vsel vm4, $0x3F800000, v9;
	v13 =	vsel vm5, $0x3F800000, v9;
	v10 =	vsel vm3, $0x3F800000, v10;
	s8 =	sor.u32 s2, s23;
	s9 =	sor.u32 s26, s23;
	s21 =	sor.u32 s19, s24;
	v11 =	vld [tilespmem:s4+$0x80];
	[tilespmem:s25+$0x0] =	vst v1  }
0xa7: {  	p2 =	slt.u32 s18, $0xC40;
	v14 =	vsel vm6, $0x3F800000, v9;
	v9 =	vsel vm7, $0x3F800000, v9;
	v7 =	vsel vm8, $0x3F800000, v8;
	s23 =	smov.u32 s30;
	v3 =	vld [tilespmem:s22+$0x80];
	[tilespmem:s28+$0x0] =	vst v2;
	s22 =	smov.u32 s0  }
0xa8: {  	v6 =	vsel vm9, $0x3F800000, v8;
	v4 =	vsel vm11, $0x3F800000, v8;
	s19 =	smov.u32 s26;
	v2 =	vld [tilespmem:s8+$0x80];
	[tilespmem:s31+$0x0] =	vst v5;
	v5 =	vsel vm10, $0x3F800000, v8  }
0xa9: {  	v1 =	vld [tilespmem:s9+$0x80];
	[tilespmem:s10+$0x0] =	vst v10  }
0xaa: {  	s0 =	sshll.u32 s18, $0x2;
	[tilespmem:s1+$0x0] =	vst v12  }
0xab: {  	s1 =	sand.u32 $0x3FFFFE00, s0;
	vm0 =	veq.s32 v11, $0x4;
	[tilespmem:s14+$0x0] =	vst v13  }
0xac: {  	s26 =	sadd.s32 $0x4B00, s1;
	s30 =	sadd.s32 $0x4B80, s1;
	vm1 =	veq.s32 v3, $0x4;
	v12 =	vsel vm0, $0x3E800000, v0;
	vm0 =	veq.s32 v11, $0x0;
	[tilespmem:s13+$0x0] =	vst v14  }
.Ltmp9:
0xad: {  	s25 =	sor.u32 s12, s26;
	s4 =	sor.u32 s3, s26;
	vm2 =	veq.s32 v2, $0x4;
	v8 =	vsel vm0, $0x3F800000, v12;
	vm0 =	veq.s32 v11, $0x1;
	[tilespmem:s29+$0x0] =	vst v9;
	(pc) =	sbr.rel @p2 .LBB2_13-.Ltmp9, $4  }
0xae: {  	s0 =	sadd.s32 $0x4C00, s1;
	s28 =	sor.u32 s12, s30;
	vm3 =	veq.s32 v1, $0x4;
	[tilespmem:s4+$0x0] =	vst v8;
	v8 =	vsel vm0, $0x3F800000, v12;
	s4 =	sor.u32 s3, s30;
	vm0 =	veq.s32 v11, $0x2  }
0xaf: {  	s24 =	sadd.s32 $0x4C80, s1;
	s31 =	sor.u32 s12, s0;
	v10 =	vsel vm1, $0x3E800000, v0;
	[tilespmem:s4+$0x0] =	vst v8;
	v13 =	vsel vm0, $0x3F800000, v12;
	s4 =	sor.u32 s3, s0;
	vm0 =	veq.s32 v11, $0x3  }
0xb0: {  	s10 =	sor.u32 s12, s24;
	s1 =	sor.u32 s2, s26;
	v9 =	vsel vm2, $0x3E800000, v0;
	v8 =	vsel vm3, $0x3E800000, v0;
	s3 =	sor.u32 s3, s24;
	[tilespmem:s4+$0x0] =	vst v13;
	v11 =	vsel vm0, $0x3F800000, v12  }
0xb1: {  	s14 =	sor.u32 s2, s30;
	s13 =	sor.u32 s2, s0;
	vm1 =	veq.s32 v3, $0x1;
	s29 =	sor.u32 s2, s24;
	vm2 =	veq.s32 v3, $0x0;
	vm0 =	veq.s32 v3, $0x2;
	[tilespmem:s3+$0x0] =	vst v11  }
0xb2: {  	[tilespmem:s20+$0x0] =	vst v7  }
0xb3: {  	v60 =	vsel vm2, $0x3F800000, v10;
	[tilespmem:s23+$0x0] =	vst v6  }
0xb4: {  	[tilespmem:s25+$0x0] =	vst v60  }
0xb5: {  	v61 =	vsel vm1, $0x3F800000, v10;
	[tilespmem:s22+$0x0] =	vst v5  }
0xb6: {  	[tilespmem:s28+$0x0] =	vst v61  }
0xb7: {  	vm7 =	veq.s32 v3, $0x3;
	v3 =	vsel vm0, $0x3F800000, v10;
	[tilespmem:s21+$0x0] =	vst v4  }
0xb8: {  	vm8 =	veq.s32 v2, $0x0;
	v62 =	vsel vm7, $0x3F800000, v10;
	[tilespmem:s31+$0x0] =	vst v3  }
0xb9: {  	vm9 =	veq.s32 v2, $0x1;
	v3 =	vsel vm8, $0x3F800000, v9;
	[tilespmem:s10+$0x0] =	vst v62  }
0xba: {  	vm10 =	veq.s32 v2, $0x2;
	v63 =	vsel vm9, $0x3F800000, v9;
	[tilespmem:s1+$0x0] =	vst v3  }
0xbb: {  	vm11 =	veq.s32 v2, $0x3;
	v2 =	vsel vm10, $0x3F800000, v9;
	[tilespmem:s14+$0x0] =	vst v63  }
0xbc: {  	vm12 =	veq.s32 v1, $0x0;
	v3 =	vsel vm11, $0x3F800000, v9;
	[tilespmem:s13+$0x0] =	vst v2  }
0xbd: {  	vm13 =	veq.s32 v1, $0x1;
	s28 =	sor.u32 s19, s26;
	v2 =	vsel vm12, $0x3F800000, v8;
	[tilespmem:s29+$0x0] =	vst v3  }
0xbe: {  	s2 =	sor.u32 s19, s30;
	vm14 =	veq.s32 v1, $0x2;
	v3 =	vsel vm13, $0x3F800000, v8;
	[tilespmem:s28+$0x0] =	vst v2  }
0xbf: {  	s0 =	sor.u32 s19, s0;
	vm15 =	veq.s32 v1, $0x3;
	v1 =	vsel vm14, $0x3F800000, v8;
	s1 =	smul.u32 @!p1 $0x640, s17;
	[tilespmem:s2+$0x0] =	vst v3  }
0xc0: {  	s30 =	sor.u32 s19, s24;
	v2 =	vsel vm15, $0x3F800000, v8;
	[tilespmem:s0+$0x0] =	vst v1  }
0xc1: {  	s2 =	simm.s32 @!p1 $0x4B00;
	s0 =	sadd.s32 @!p1 s11, s1;
	s1 =	simm.s32 @!p1 $0x0;
	[tilespmem:s30+$0x0] =	vst v2  }
0xc2: {  	[hbm4b:s0+s1] =	stream.linear.scatter @!p1 [tilespmem:s2], [sflag:$0x4], $0x3200, $0x38;
	[tilespmem:$0x7D00] =	vst v63  }
0xc3: {  	s31 =	rddreg [dreg:$0x5]  }
0xc4: {  	s0 =	sadd.s32 s31, s16  }
0xc5: {  	p1 =	sgt.u32 s0, $0x270  }
.Ltmp10:
0xc6: {  	_ = 	snop;
	(pc) =	sbr.rel @p1 .LBB2_18-.Ltmp10, $1  }
0xc7: {  	_ =	sdelay $0x3  }
0xc8: {  	s0 =	smul.u32 $0x190, s0  }
0xc9: {  	s1 =	rddreg [dreg:$0x0]  }
0xca: {  	s2 =	simm.s32 $0x10;
	s0 =	sadd.s32 s1, s0  }
0xcb: {  	s3 =	simm.s32 $0x180;
	s1 =	simm.s32 $0x80;
	s10 =	sadd.s32 $0x0, s0  }
.LBB2_16:
0xcc: {  	[tilespmem:s1], [sflag:$0x2] =	stream.linear.gather [hbm4b:s10+s5], $0x80, $0x38;
	[tilespmem:$0x7D00] =	vst v63  }
0xcd: {  	s4 =	smov.u32 s2;
	s1 =	smov.u32 s3;
	p1 =	sne.s32 s2, $0x180  }
.Ltmp11:
0xce: {  	s2 =	sadd.s32 $0x10, s2;
	(pc) =	sbr.rel @p1 .LBB2_16-.Ltmp11, $2  }
0xcf: {  	_ =	sdelay $0x2  }
0xd0: {  	s3 =	sadd.s32 $0x100, s3;
	s10 =	sadd.s32 s4, s0  }
.Ltmp12:
0xd1: {  	(pc) =	sbr.rel .LBB2_18-.Ltmp12, $2  }
0xd2: {  	_ =	sdelay $0x2  }
0xd3: {  	[tilespmem:s1], [sflag:$0x2] =	stream.linear.gather [hbm4b:s10+s5], $0x80, $0x38;
	[tilespmem:$0x7D00] =	vst v63  }
.LBB2_20:
0xd4: {  	_ =	sfence.sel $0x180000  }
0xd5: {  	[bflag:$0x0] =	sbarrier.arrive $0xFFFF  }
0xd6: {  	_ =	strace $0x90000047  }
0xd7: {  	s0 =	stileid.u32;
	[bflag:$0x2] =	sbarrier.arrive $0xFFFF  }
0xd8: {  	p0 =	sne.s32 s0, $0x0;
	s0 =	rddreg [dreg:$0x2]  }
0xd9: {  	s0 =	sadd.s32 @!p0 $0x100000, s0  }
0xda: {  	[sflag:s0] =	ssyncadd.tile.s32 @!p0 $0x1;
	_ =	shalt  }
.Lfunc_end2:
_tile_overlayer_lowered:
.L_overlay_start_2:
0xdb: {  	(tag) =	ssettag $0x2  }
0xdc: {  	s0 =	rddreg [dreg:$0x0];
	s2 =	stileid.u32  }
0xdd: {  	s1 =	rddreg [dreg:$0x1];
	p0 =	sne.s32 s2, $0x0  }
0xde: {  	s3 =	rddreg [dreg:$0x2];
	[bflag:$0x3] =	sbarrier.arrive $0xFFFF;
	s2 =	simm.s32 @!p0 $0x1C05  }
0xdf: {  	[timem:s3], [sflag:s2] =	dma.local @!p0 [hbm:s0], s1  }
0xe0: {  	s0 =	simm.s32 @!p0 $0x5  }
0xe1: {  	_ =	swait.ge @!p0 [sflag:s0], s1  }
0xe2: {  	s1 =	ssub.s32 @!p0 $0x0, s1;
	[sflag:s0] =	ssyncset.done @!p0 $0x0  }
0xe3: {  	[sflag:s0] =	ssyncadd.s32 @!p0 s1  }
0xe4: {  	[bflag:$0x3] =	sbarrier.arrive $0xFFFF  }
0xe5: {  	_ =	shalt  }

</sc_bundles>
